<compile_context>
chip_gen: v7x
topology: tpu7x:2x2x1
jax: 0.10.2.dev20260603
libtpu: 0.0.44.dev20260713+nightly
codegen_flags: <defaults>
</compile_context>

<pallas_src>
import numpy as np
import jax
import jax.numpy as jnp
from jax.experimental import pallas as pl
from jax.experimental.pallas import tpu as pltpu

_BASE = [[15, 13], [13, 11], [16, 14], [14, 12], [11, 12], [5, 11], [6, 12],
         [5, 6], [5, 7], [6, 8], [7, 9], [8, 10], [1, 2], [0, 1], [0, 2],
         [1, 3], [2, 4], [3, 5], [4, 6]]
_CONNS = np.array(_BASE + [[b, a] for a, b in _BASE], dtype=np.int32)
_SRC = _CONNS[:, 0]
_DST = _CONNS[:, 1]
_NE, _NN = 38, 17
_CG = 8
_NG = 48
_T = 24
_BATCH = 128
_H = 512
_DGAT = 17 * 256
_DPE = 512

_GS = np.zeros((_NE, _NN), np.float32); _GS[np.arange(_NE), _SRC] = 1.0
_GD = np.zeros((_NE, _NN), np.float32); _GD[np.arange(_NE), _DST] = 1.0
_EYE = np.eye(_CG, dtype=np.float32)
_GSK = np.kron(_EYE, _GS)
_GDK = np.kron(_EYE, _GD)
_SDK = _GDK.T.copy()
_DMAT = (_GD - _GS).T.copy()
_R64 = np.repeat(np.eye(8, dtype=np.float32), 64, axis=1)
_R128 = np.repeat(np.eye(8, dtype=np.float32), 128, axis=1)
_R256 = np.repeat(np.eye(8, dtype=np.float32), 256, axis=1)

_F32 = jnp.float32
_PREC = jax.lax.Precision.HIGHEST


def _elu(x):
    return jnp.where(x > 0, x, jnp.exp(jnp.minimum(x, 0.0)) - 1.0)


def _amat(a):
    h, c = a.shape
    return (a[:, :, None] * jnp.eye(h, dtype=a.dtype)[:, None, :]).reshape(h * c, h)



def _gat_body(x_ref, w1, a1s, a1d, b1r, w2, a2s, a2d, b2r, w3, a3s, a3d, b3r,
              gsk, gdk, sdk, r1, r2, r3, srow, out_ref):
    gskv = gsk[...]
    gdkv = gdk[...]
    sdkv = sdk[...]

    def layer(x, w, asv, adv, rexp):
        h = jnp.dot(x, w[...], preferred_element_type=_F32, precision=_PREC)
        als = jnp.dot(h, asv[...], preferred_element_type=_F32, precision=_PREC)
        ald = jnp.dot(h, adv[...], preferred_element_type=_F32, precision=_PREC)
        e = jnp.dot(gskv, als, preferred_element_type=_F32, precision=_PREC) + \
            jnp.dot(gdkv, ald, preferred_element_type=_F32, precision=_PREC)
        e = jnp.maximum(e, 0.2 * e)
        m = jnp.max(e, axis=0, keepdims=True)
        ee = jnp.exp(e - m)
        den = jnp.dot(sdkv, ee, preferred_element_type=_F32, precision=_PREC)
        dene = jnp.dot(gdkv, den, preferred_element_type=_F32, precision=_PREC)
        alpha = ee / (dene + 1e-16)
        af = jnp.dot(alpha, rexp[...], preferred_element_type=_F32, precision=_PREC)
        hg = jnp.dot(gskv, h, preferred_element_type=_F32, precision=_PREC)
        return jnp.dot(sdkv, af * hg, preferred_element_type=_F32, precision=_PREC)

    x = x_ref[...]
    h1 = _elu(layer(x, w1, a1s, a1d, r1) + b1r[...])
    h2 = _elu(layer(h1, w2, a2s, a2d, r2) + b2r[...])
    h3 = layer(h2, w3, a3s, a3d, r3)
    acc = h3[:, 0:256]
    for k in range(1, 8):
        acc = acc + h3[:, k * 256:(k + 1) * 256]
    out = acc * (1.0 / 8.0) + b3r[...]
    out_ref[...] = out * srow[...]


def _run_gat(x0, w1, a1s, a1d, b1, w2, a2s, a2d, b2, w3, a3s, a3d, b3, srow):
    nchunks = _NG // _CG
    rows = _CG * _NN
    erows = _CG * _NE
    const = lambda shape: pl.BlockSpec(shape, lambda i: (0, 0))
    return pl.pallas_call(
        _gat_body,
        grid=(nchunks,),
        in_specs=[
            pl.BlockSpec((rows, 3), lambda i: (i, 0)),
            const((3, 512)), const((512, 8)), const((512, 8)), const((1, 512)),
            const((512, 1024)), const((1024, 8)), const((1024, 8)), const((1, 1024)),
            const((1024, 2048)), const((2048, 8)), const((2048, 8)), const((1, 256)),
            const((erows, rows)), const((erows, rows)), const((rows, erows)),
            const((8, 512)), const((8, 1024)), const((8, 2048)),
            pl.BlockSpec((rows, 1), lambda i: (i, 0)),
        ],
        out_specs=pl.BlockSpec((rows, 256), lambda i: (i, 0)),
        out_shape=jax.ShapeDtypeStruct((_NG * _NN, 256), _F32),
    )(x0, w1, a1s, a1d, b1[None, :], w2, a2s, a2d, b2[None, :],
      w3, a3s, a3d, b3[None, :],
      jnp.asarray(_GSK), jnp.asarray(_GDK), jnp.asarray(_SDK),
      jnp.asarray(_R64), jnp.asarray(_R128), jnp.asarray(_R256), srow)



def _pe_body(px_ref, py_ref, dmat, wl, wa, bfc2, scol, out_ref):
    vx = jnp.dot(px_ref[...], dmat[...], preferred_element_type=_F32, precision=_PREC)
    vy = jnp.dot(py_ref[...], dmat[...], preferred_element_type=_F32, precision=_PREC)
    ln = jnp.sqrt(vx * vx + vy * vy)
    ang = jnp.arctan2(vy, vx)
    pe = jnp.dot(ln, wl[...], preferred_element_type=_F32, precision=_PREC) + \
         jnp.dot(ang, wa[...], preferred_element_type=_F32, precision=_PREC) + bfc2[...]
    out_ref[...] = pe * scol[...]


def _run_pe(px, py, wl, wa, bfc2, scol):
    rows = px.shape[0]
    full = lambda a: pl.BlockSpec(a.shape, lambda: (0,) * a.ndim)
    dmat = jnp.asarray(_DMAT)
    return pl.pallas_call(
        _pe_body,
        in_specs=[full(px), full(py), full(dmat), full(wl), full(wa),
                  pl.BlockSpec((1, 512), lambda: (0, 0)),
                  pl.BlockSpec((rows, 1), lambda: (0, 0))],
        out_specs=pl.BlockSpec((rows, 512), lambda: (0, 0)),
        out_shape=jax.ShapeDtypeStruct((rows, 512), _F32),
    )(px, py, dmat, wl, wa, bfc2, scol)



def _u_body(gatc_ref, wgf_ref, wgb_ref, uf_ref, ub_ref):
    g = gatc_ref[...]
    uf_ref[...] = jnp.dot(g, wgf_ref[...], preferred_element_type=_F32, precision=_PREC)
    ub_ref[...] = jnp.dot(g[46:48, :], wgb_ref[...], preferred_element_type=_F32, precision=_PREC)


def _run_u(gatc, wgf, wgb):
    nb = 8
    return pl.pallas_call(
        _u_body,
        grid=(nb,),
        in_specs=[
            pl.BlockSpec((_NG, _DGAT), lambda j: (0, 0)),
            pl.BlockSpec((_DGAT, 256), lambda j: (0, j)),
            pl.BlockSpec((_DGAT, 256), lambda j: (0, j)),
        ],
        out_specs=[
            pl.BlockSpec((_NG, 256), lambda j: (0, j)),
            pl.BlockSpec((2, 256), lambda j: (0, j)),
        ],
        out_shape=[
            jax.ShapeDtypeStruct((_NG, 4 * _H), _F32),
            jax.ShapeDtypeStruct((2, 4 * _H), _F32),
        ],
    )(gatc, wgf, wgb)



def _lstm_body(pe_ref, u_ref, wp_ref, whh_ref, bf_ref, out_ref, h_ref, c_ref):
    t = pl.program_id(0)

    @pl.when(t == 0)
    def _():
        h_ref[...] = jnp.zeros_like(h_ref)
        c_ref[...] = jnp.zeros_like(c_ref)

    g = jnp.dot(pe_ref[...], wp_ref[...], preferred_element_type=_F32, precision=_PREC)
    g = g + bf_ref[...]
    row = jax.lax.broadcasted_iota(jnp.int32, (_BATCH, 1), 0)
    g = g + jnp.where(row == 0, 1.0, 0.0) * u_ref[0, 0:1, :]
    g = g + jnp.where(row == 64, 1.0, 0.0) * u_ref[0, 1:2, :]
    g = g + jnp.dot(h_ref[...], whh_ref[...], preferred_element_type=_F32, precision=_PREC)
    gi = jax.nn.sigmoid(g[:, 0:_H])
    gf = jax.nn.sigmoid(g[:, _H:2 * _H])
    gg = jnp.tanh(g[:, 2 * _H:3 * _H])
    go = jax.nn.sigmoid(g[:, 3 * _H:4 * _H])
    c = gf * c_ref[...] + gi * gg
    h = go * jnp.tanh(c)
    c_ref[...] = c
    h_ref[...] = h

    @pl.when(t == _T - 1)
    def _():
        out_ref[...] = h


def _run_lstm_fwd(pe_s, uf3, wpf, whhft, bf):
    return pl.pallas_call(
        _lstm_body,
        grid=(_T,),
        in_specs=[
            pl.BlockSpec((_BATCH, _DPE), lambda t: (t, 0)),
            pl.BlockSpec((1, 2, 4 * _H), lambda t: (t, 0, 0)),
            pl.BlockSpec((_DPE, 4 * _H), lambda t: (0, 0)),
            pl.BlockSpec((_H, 4 * _H), lambda t: (0, 0)),
            pl.BlockSpec((1, 4 * _H), lambda t: (0, 0)),
        ],
        out_specs=pl.BlockSpec((_BATCH, _H), lambda t: (0, 0)),
        out_shape=jax.ShapeDtypeStruct((_BATCH, _H), _F32),
        scratch_shapes=[
            pltpu.VMEM((_BATCH, _H), _F32),
            pltpu.VMEM((_BATCH, _H), _F32),
        ],
    )(pe_s, uf3, wpf, whhft, bf)



def _final_body(hf_ref, pe23_ref, ub_ref, wpb_ref, bb_ref, wcls_ref, bcls_ref,
                last_ref, cls_ref):
    g = jnp.dot(pe23_ref[...], wpb_ref[...], preferred_element_type=_F32, precision=_PREC)
    g = g + bb_ref[...]
    row = jax.lax.broadcasted_iota(jnp.int32, (_BATCH, 1), 0)
    g = g + jnp.where(row == 0, 1.0, 0.0) * ub_ref[0:1, :]
    g = g + jnp.where(row == 64, 1.0, 0.0) * ub_ref[1:2, :]
    gi = jax.nn.sigmoid(g[:, 0:_H])
    gg = jnp.tanh(g[:, 2 * _H:3 * _H])
    go = jax.nn.sigmoid(g[:, 3 * _H:4 * _H])
    c = gi * gg
    hb = go * jnp.tanh(c)
    hf = hf_ref[...]
    last_ref[:, 0:_H] = hf
    last_ref[:, _H:2 * _H] = hb
    wcls = wcls_ref[...]
    cls_ref[...] = (jnp.dot(hf, wcls[0:_H, :], preferred_element_type=_F32, precision=_PREC) +
                    jnp.dot(hb, wcls[_H:2 * _H, :], preferred_element_type=_F32, precision=_PREC) +
                    bcls_ref[...])


def _run_final(hf, pe23, ub, wpb, bb, wcls, bcls):
    full = lambda a: pl.BlockSpec(a.shape, lambda: (0,) * a.ndim)
    return pl.pallas_call(
        _final_body,
        in_specs=[full(hf), full(pe23), full(ub), full(wpb),
                  pl.BlockSpec((1, 4 * _H), lambda: (0, 0)), full(wcls),
                  pl.BlockSpec((1, 500), lambda: (0, 0))],
        out_specs=[
            pl.BlockSpec((_BATCH, 2 * _H), lambda: (0, 0)),
            pl.BlockSpec((_BATCH, 500), lambda: (0, 0)),
        ],
        out_shape=[
            jax.ShapeDtypeStruct((_BATCH, 2 * _H), _F32),
            jax.ShapeDtypeStruct((_BATCH, 500), _F32),
        ],
    )(hf, pe23, ub, wpb, bb, wcls, bcls)



def kernel(pose1, pose2, modal, W1, as1, ad1, b1, W2, as2, ad2, b2,
           W3, as3, ad3, b3, Wfc, bfc, bn_g, bn_b,
           Wih_f, Whh_f, bih_f, bhh_f, Wih_b, Whh_b, bih_b, bhh_b,
           Wcls, bcls):
    del modal, Whh_b

    stacked = jnp.stack([jnp.transpose(pose1, (1, 0, 2, 3)),
                         jnp.transpose(pose2, (1, 0, 2, 3))], axis=1)
    s = (bn_g / np.sqrt(1.0 + 1e-5)).astype(_F32)

    x0 = stacked[:, :, 0].reshape(_NG * _NN, 3)
    srow = jnp.repeat(jnp.repeat(s, 2), _NN)[:, None]
    ga = _run_gat(x0, W1, _amat(as1), _amat(ad1), b1,
                  W2, _amat(as2), _amat(ad2), b2,
                  W3, _amat(as3), _amat(ad3), b3, srow)
    gatc = ga.reshape(_NG, _DGAT)

    coords = stacked.reshape(_T * _BATCH, _NN, 3)
    px = coords[:, :, 0]
    py = coords[:, :, 1]
    we, wo = Wfc[0::2], Wfc[1::2]
    z = jnp.zeros((19, 256), _F32)
    wl = jnp.concatenate([jnp.concatenate([we, z], 1),
                          jnp.concatenate([z, we], 1)], 0)
    wa = jnp.concatenate([jnp.concatenate([wo, z], 1),
                          jnp.concatenate([z, wo], 1)], 0)
    bfc2 = jnp.concatenate([bfc, bfc])[None, :]
    scol = jnp.repeat(s, _BATCH)[:, None]
    pe_s = _run_pe(px, py, wl, wa, bfc2, scol)

    wgf = jnp.transpose(Wih_f[:, 0:_DGAT])
    wgb = jnp.transpose(Wih_b[:, 0:_DGAT])
    uf, ub = _run_u(gatc, wgf, wgb)

    wpf = jnp.transpose(Wih_f[:, _DGAT:])
    whhft = jnp.transpose(Whh_f)
    bf = (bih_f + bhh_f)[None, :]
    hf = _run_lstm_fwd(pe_s, uf.reshape(_T, 2, 4 * _H), wpf, whhft, bf)

    wpb = jnp.transpose(Wih_b[:, _DGAT:])
    bb = (bih_b + bhh_b)[None, :]
    pe23 = pe_s[(_T - 1) * _BATCH:, :]
    last, cls = _run_final(hf, pe23, ub, wpb, bb, Wcls, bcls[None, :])
    return (last, cls)

# --- scband reference (transcript-rebuilt; emitter-appended) ---
"""Pipeline reference for scband-pose-feature-net-23819888624111 (READ-ONLY COPY).

The authoritative reference and input builder live on the scoring server;
editing this copy changes nothing except your own understanding.
"""

import jax, jax.numpy as jnp
import numpy as np

_BASE = [[15,13],[13,11],[16,14],[14,12],[11,12],[5,11],[6,12],[5,6],[5,7],[6,8],[7,9],[8,10],[1,2],[0,1],[0,2],[1,3],[2,4],[3,5],[4,6]]
_CONNS = _BASE + [[b, a] for a, b in _BASE]
CONN = jnp.array(np.array(_CONNS, dtype=np.int32).T)  # [2, 38]


def gat_conv(x, ei, W, a_src, a_dst, bias, heads, out_ch, concat):
    N = x.shape[0]
    src, dst = ei[0], ei[1]
    h = (x @ W).reshape(N, heads, out_ch)
    al_s = (h * a_src[None]).sum(-1)
    al_d = (h * a_dst[None]).sum(-1)
    e = jax.nn.leaky_relu(al_s[src] + al_d[dst], 0.2)
    emax = jax.lax.stop_gradient(jax.ops.segment_max(e, dst, num_segments=N))
    emax = jnp.where(jnp.isfinite(emax), emax, 0.0)
    ee = jnp.exp(e - emax[dst])
    denom = jax.ops.segment_sum(ee, dst, num_segments=N)
    alpha = ee / (denom[dst] + 1e-16)
    out = jax.ops.segment_sum(h[src] * alpha[:, :, None], dst, num_segments=N)
    out = out.reshape(N, heads * out_ch) if concat else out.mean(axis=1)
    return out + bias


def lstm_dir(x, Wih, Whh, bih, bhh):
    B, T, _ = x.shape
    H = Whh.shape[1]
    h = jnp.zeros((B, H), x.dtype)
    c = jnp.zeros((B, H), x.dtype)
    outs = []
    for t in range(T):
        g = x[:, t] @ Wih.T + h @ Whh.T + bih + bhh
        i, f, gg, o = jnp.split(g, 4, axis=1)
        c = jax.nn.sigmoid(f) * c + jax.nn.sigmoid(i) * jnp.tanh(gg)
        h = jax.nn.sigmoid(o) * jnp.tanh(c)
        outs.append(h)
    return jnp.stack(outs, axis=1)


def setup_inputs(seed: int = 0):
    key = jax.random.key(seed)
    ks = jax.random.split(key, 32)
    s = 0.05
    H = 512
    D = 4864
    inp = {}
    inp['pose1'] = jax.random.normal(ks[0], (64, 24, 17, 3), jnp.float32)
    inp['pose2'] = jax.random.normal(ks[1], (64, 24, 17, 3), jnp.float32)
    inp['modal'] = 0
    inp['W1'] = jax.random.normal(ks[2], (3, 512), jnp.float32) * s
    inp['as1'] = jax.random.normal(ks[3], (8, 64), jnp.float32) * s
    inp['ad1'] = jax.random.normal(ks[4], (8, 64), jnp.float32) * s
    inp['b1'] = jnp.zeros((512,), jnp.float32)
    inp['W2'] = jax.random.normal(ks[5], (512, 1024), jnp.float32) * s
    inp['as2'] = jax.random.normal(ks[6], (8, 128), jnp.float32) * s
    inp['ad2'] = jax.random.normal(ks[7], (8, 128), jnp.float32) * s
    inp['b2'] = jnp.zeros((1024,), jnp.float32)
    inp['W3'] = jax.random.normal(ks[8], (1024, 2048), jnp.float32) * s
    inp['as3'] = jax.random.normal(ks[9], (8, 256), jnp.float32) * s
    inp['ad3'] = jax.random.normal(ks[10], (8, 256), jnp.float32) * s
    inp['b3'] = jnp.zeros((256,), jnp.float32)
    inp['Wfc'] = jax.random.normal(ks[11], (38, 256), jnp.float32) * s
    inp['bfc'] = jnp.zeros((256,), jnp.float32)
    inp['bn_g'] = jnp.ones((24,), jnp.float32)
    inp['bn_b'] = jnp.zeros((24,), jnp.float32)
    inp['Wih_f'] = jax.random.normal(ks[12], (4 * H, D), jnp.float32) * 0.01
    inp['Whh_f'] = jax.random.normal(ks[13], (4 * H, H), jnp.float32) * 0.01
    inp['bih_f'] = jnp.zeros((4 * H,), jnp.float32)
    inp['bhh_f'] = jnp.zeros((4 * H,), jnp.float32)
    inp['Wih_b'] = jax.random.normal(ks[14], (4 * H, D), jnp.float32) * 0.01
    inp['Whh_b'] = jax.random.normal(ks[15], (4 * H, H), jnp.float32) * 0.01
    inp['bih_b'] = jnp.zeros((4 * H,), jnp.float32)
    inp['bhh_b'] = jnp.zeros((4 * H,), jnp.float32)
    inp['Wcls'] = jax.random.normal(ks[16], (2 * H, 500), jnp.float32) * s
    inp['bcls'] = jnp.zeros((500,), jnp.float32)
    return inp


def reference(pose1, pose2, modal, W1, as1, ad1, b1, W2, as2, ad2, b2, W3, as3, ad3, b3, Wfc, bfc, bn_g, bn_b, Wih_f, Whh_f, bih_f, bhh_f, Wih_b, Whh_b, bih_b, bhh_b, Wcls, bcls):
    def gat_block(x):
        h = gat_conv(x, CONN, W1, as1, ad1, b1, 8, 64, True)
        h = jax.nn.elu(h)
        h = gat_conv(h, CONN, W2, as2, ad2, b2, 8, 128, True)
        h = jax.nn.elu(h)
        return gat_conv(h, CONN, W3, as3, ad3, b3, 8, 256, False)

    def run_gat(pose):
        B, S, Nn, _ = pose.shape
        outs = []
        for t in range(S):
            go = gat_block(pose[:, t].reshape(-1, 3))
            outs.append(go.reshape(B, Nn * 256))
        return jnp.stack(outs, axis=1)

    def edge_feats(pose):
        p = pose.reshape(-1, 17, 3)
        v = p[:, CONN[1], :2] - p[:, CONN[0], :2]
        ln = jnp.sqrt((v * v).sum(-1))[..., None]
        ang = jnp.arctan2(v[:, :, 1], v[:, :, 0])[..., None]
        return jnp.concatenate([ln, ang], axis=-1)  # [B*S, 38, 2]

    B, S = pose1.shape[0], pose1.shape[1]
    gat_rgb = run_gat(pose1)
    gat_ir = run_gat(pose2)
    pe_rgb = (edge_feats(pose1).reshape(-1, 38) @ Wfc + bfc).reshape(B, S, -1)
    pe_ir = (edge_feats(pose2).reshape(-1, 38) @ Wfc + bfc).reshape(B, S, -1)
    comb = jnp.concatenate([jnp.concatenate([gat_rgb, pe_rgb], -1), jnp.concatenate([gat_ir, pe_ir], -1)], axis=0)
    x = comb / jnp.sqrt(1.0 + 1e-5) * bn_g[None, :, None] + bn_b[None, :, None]
    fwd = lstm_dir(x, Wih_f, Whh_f, bih_f, bhh_f)
    bwd = lstm_dir(x[:, ::-1], Wih_b, Whh_b, bih_b, bhh_b)[:, ::-1]
    last = jnp.concatenate([fwd, bwd], axis=-1)[:, -1, :]
    cls = last @ Wcls + bcls
    return (last, cls)

if __name__ == "__main__":
    import jax
    _d = setup_inputs()
    print(jax.jit(kernel)(*tuple(_d.values())))

</pallas_src>

<mosaic_0001>
module attributes {stable_mosaic.version = 14 : i64} {
  func.func @_gat_body(%arg0: i32, %arg1: memref<136x3xf32, #tpu.memory_space<vmem>>, %arg2: memref<3x512xf32, #tpu.memory_space<vmem>>, %arg3: memref<512x8xf32, #tpu.memory_space<vmem>>, %arg4: memref<512x8xf32, #tpu.memory_space<vmem>>, %arg5: memref<1x512xf32, #tpu.memory_space<vmem>>, %arg6: memref<512x1024xf32, #tpu.memory_space<vmem>>, %arg7: memref<1024x8xf32, #tpu.memory_space<vmem>>, %arg8: memref<1024x8xf32, #tpu.memory_space<vmem>>, %arg9: memref<1x1024xf32, #tpu.memory_space<vmem>>, %arg10: memref<1024x2048xf32, #tpu.memory_space<vmem>>, %arg11: memref<2048x8xf32, #tpu.memory_space<vmem>>, %arg12: memref<2048x8xf32, #tpu.memory_space<vmem>>, %arg13: memref<1x256xf32, #tpu.memory_space<vmem>>, %arg14: memref<304x136xf32, #tpu.memory_space<vmem>>, %arg15: memref<304x136xf32, #tpu.memory_space<vmem>>, %arg16: memref<136x304xf32, #tpu.memory_space<vmem>>, %arg17: memref<8x512xf32, #tpu.memory_space<vmem>>, %arg18: memref<8x1024xf32, #tpu.memory_space<vmem>>, %arg19: memref<8x2048xf32, #tpu.memory_space<vmem>>, %arg20: memref<136x1xf32, #tpu.memory_space<vmem>>, %arg21: memref<136x256xf32, #tpu.memory_space<vmem>>) attributes {dimension_semantics = [#tpu.dimension_semantics<arbitrary>], iteration_bounds = array<i64: 6>, scalar_prefetch = 0 : i64, scratch_operands = 0 : i64, tpu.core_type = #tpu.core_type<tc>, window_params = [{transform_indices = @transform_0, window_bounds = array<i64: 136, 3>}, {pipeline_mode = #tpu.pipeline_mode<synchronous>, transform_indices = @transform_1, window_bounds = array<i64: 3, 512>}, {pipeline_mode = #tpu.pipeline_mode<synchronous>, transform_indices = @transform_2, window_bounds = array<i64: 512, 8>}, {pipeline_mode = #tpu.pipeline_mode<synchronous>, transform_indices = @transform_3, window_bounds = array<i64: 512, 8>}, {pipeline_mode = #tpu.pipeline_mode<synchronous>, transform_indices = @transform_4, window_bounds = array<i64: 1, 512>}, {pipeline_mode = #tpu.pipeline_mode<synchronous>, transform_indices = @transform_5, window_bounds = array<i64: 512, 1024>}, {pipeline_mode = #tpu.pipeline_mode<synchronous>, transform_indices = @transform_6, window_bounds = array<i64: 1024, 8>}, {pipeline_mode = #tpu.pipeline_mode<synchronous>, transform_indices = @transform_7, window_bounds = array<i64: 1024, 8>}, {pipeline_mode = #tpu.pipeline_mode<synchronous>, transform_indices = @transform_8, window_bounds = array<i64: 1, 1024>}, {pipeline_mode = #tpu.pipeline_mode<synchronous>, transform_indices = @transform_9, window_bounds = array<i64: 1024, 2048>}, {pipeline_mode = #tpu.pipeline_mode<synchronous>, transform_indices = @transform_10, window_bounds = array<i64: 2048, 8>}, {pipeline_mode = #tpu.pipeline_mode<synchronous>, transform_indices = @transform_11, window_bounds = array<i64: 2048, 8>}, {pipeline_mode = #tpu.pipeline_mode<synchronous>, transform_indices = @transform_12, window_bounds = array<i64: 1, 256>}, {pipeline_mode = #tpu.pipeline_mode<synchronous>, transform_indices = @transform_13, window_bounds = array<i64: 304, 136>}, {pipeline_mode = #tpu.pipeline_mode<synchronous>, transform_indices = @transform_14, window_bounds = array<i64: 304, 136>}, {pipeline_mode = #tpu.pipeline_mode<synchronous>, transform_indices = @transform_15, window_bounds = array<i64: 136, 304>}, {pipeline_mode = #tpu.pipeline_mode<synchronous>, transform_indices = @transform_16, window_bounds = array<i64: 8, 512>}, {pipeline_mode = #tpu.pipeline_mode<synchronous>, transform_indices = @transform_17, window_bounds = array<i64: 8, 1024>}, {pipeline_mode = #tpu.pipeline_mode<synchronous>, transform_indices = @transform_18, window_bounds = array<i64: 8, 2048>}, {transform_indices = @transform_19, window_bounds = array<i64: 136, 1>}, {transform_indices = @transform_20, window_bounds = array<i64: 136, 256>}]} {
    %get3A = arith.constant 0 : index
    %get3A_0 = arith.constant 0 : index
    %get3A_1 = vector.load %arg14[%get3A, %get3A_0] : memref<304x136xf32, #tpu.memory_space<vmem>>, vector<304x136xf32>
    %get3A_2 = arith.constant 0 : index
    %get3A_3 = arith.constant 0 : index
    %get3A_4 = vector.load %arg15[%get3A_2, %get3A_3] : memref<304x136xf32, #tpu.memory_space<vmem>>, vector<304x136xf32>
    %get3A_5 = arith.constant 0 : index
    %get3A_6 = arith.constant 0 : index
    %get3A_7 = vector.load %arg16[%get3A_5, %get3A_6] : memref<136x304xf32, #tpu.memory_space<vmem>>, vector<136x304xf32>
    %get3A_8 = arith.constant 0 : index
    %get3A_9 = arith.constant 0 : index
    %get3A_10 = vector.load %arg1[%get3A_8, %get3A_9] : memref<136x3xf32, #tpu.memory_space<vmem>>, vector<136x3xf32>
    %get3A_11 = arith.constant 0 : index
    %get3A_12 = arith.constant 0 : index
    %get3A_13 = vector.load %arg2[%get3A_11, %get3A_12] : memref<3x512xf32, #tpu.memory_space<vmem>>, vector<3x512xf32>
    %dot_general3A = arith.constant dense<0.000000e+00> : vector<136x512xf32>
    %dot_general3A_14 = tpu.matmul %get3A_10, %get3A_13, %dot_general3A {dimension_numbers = #tpu.dot_dimension_numbers<[1], [0], [0], [1], [0, 0, 1, 1], [], []>, precision = #tpu.contract_precision<fp32>, transpose_lhs_hint = false} : vector<136x3xf32>, vector<3x512xf32>, vector<136x512xf32> -> vector<136x512xf32>
    %get3A_15 = arith.constant 0 : index
    %get3A_16 = arith.constant 0 : index
    %get3A_17 = vector.load %arg3[%get3A_15, %get3A_16] : memref<512x8xf32, #tpu.memory_space<vmem>>, vector<512x8xf32>
    %dot_general3A_18 = arith.constant dense<0.000000e+00> : vector<136x8xf32>
    %dot_general3A_19 = tpu.matmul %dot_general3A_14, %get3A_17, %dot_general3A_18 {dimension_numbers = #tpu.dot_dimension_numbers<[1], [0], [0], [1], [0, 0, 1, 1], [], []>, precision = #tpu.contract_precision<fp32>, transpose_lhs_hint = false} : vector<136x512xf32>, vector<512x8xf32>, vector<136x8xf32> -> vector<136x8xf32>
    %get3A_20 = arith.constant 0 : index
    %get3A_21 = arith.constant 0 : index
    %get3A_22 = vector.load %arg4[%get3A_20, %get3A_21] : memref<512x8xf32, #tpu.memory_space<vmem>>, vector<512x8xf32>
    %dot_general3A_23 = arith.constant dense<0.000000e+00> : vector<136x8xf32>
    %dot_general3A_24 = tpu.matmul %dot_general3A_14, %get3A_22, %dot_general3A_23 {dimension_numbers = #tpu.dot_dimension_numbers<[1], [0], [0], [1], [0, 0, 1, 1], [], []>, precision = #tpu.contract_precision<fp32>, transpose_lhs_hint = false} : vector<136x512xf32>, vector<512x8xf32>, vector<136x8xf32> -> vector<136x8xf32>
    %dot_general3A_25 = arith.constant dense<0.000000e+00> : vector<304x8xf32>
    %dot_general3A_26 = tpu.matmul %get3A_1, %dot_general3A_19, %dot_general3A_25 {dimension_numbers = #tpu.dot_dimension_numbers<[1], [0], [0], [1], [0, 0, 1, 1], [], []>, precision = #tpu.contract_precision<fp32>, transpose_lhs_hint = false} : vector<304x136xf32>, vector<136x8xf32>, vector<304x8xf32> -> vector<304x8xf32>
    %dot_general3A_27 = arith.constant dense<0.000000e+00> : vector<304x8xf32>
    %dot_general3A_28 = tpu.matmul %get3A_4, %dot_general3A_24, %dot_general3A_27 {dimension_numbers = #tpu.dot_dimension_numbers<[1], [0], [0], [1], [0, 0, 1, 1], [], []>, precision = #tpu.contract_precision<fp32>, transpose_lhs_hint = false} : vector<304x136xf32>, vector<136x8xf32>, vector<304x8xf32> -> vector<304x8xf32>
    %add3A = arith.addf %dot_general3A_26, %dot_general3A_28 : vector<304x8xf32>
    %mul3A = arith.constant 2.000000e-01 : f32
    %mul3A_29 = vector.broadcast %mul3A : f32 to vector<304x8xf32>
    %mul3A_30 = arith.mulf %mul3A_29, %add3A : vector<304x8xf32>
    %max3A = arith.maximumf %add3A, %mul3A_30 : vector<304x8xf32>
    %reduce_max3A = arith.constant dense<0xFF800000> : vector<8xf32>
    %reduce_max3A_31 = vector.multi_reduction <maximumf>, %max3A, %reduce_max3A [0] : vector<304x8xf32> to vector<8xf32>
    %broadcast_in_dim3A = vector.shape_cast %reduce_max3A_31 : vector<8xf32> to vector<1x8xf32>
    %sub3A = vector.broadcast %broadcast_in_dim3A : vector<1x8xf32> to vector<304x8xf32>
    %sub3A_32 = arith.subf %max3A, %sub3A : vector<304x8xf32>
    %exp3A = math.exp %sub3A_32 : vector<304x8xf32>
    %dot_general3A_33 = arith.constant dense<0.000000e+00> : vector<136x8xf32>
    %dot_general3A_34 = tpu.matmul %get3A_7, %exp3A, %dot_general3A_33 {dimension_numbers = #tpu.dot_dimension_numbers<[1], [0], [0], [1], [0, 0, 1, 1], [], []>, precision = #tpu.contract_precision<fp32>, transpose_lhs_hint = false} : vector<136x304xf32>, vector<304x8xf32>, vector<136x8xf32> -> vector<136x8xf32>
    %dot_general3A_35 = arith.constant dense<0.000000e+00> : vector<304x8xf32>
    %dot_general3A_36 = tpu.matmul %get3A_4, %dot_general3A_34, %dot_general3A_35 {dimension_numbers = #tpu.dot_dimension_numbers<[1], [0], [0], [1], [0, 0, 1, 1], [], []>, precision = #tpu.contract_precision<fp32>, transpose_lhs_hint = false} : vector<304x136xf32>, vector<136x8xf32>, vector<304x8xf32> -> vector<304x8xf32>
    %add3A_37 = arith.constant 1.000000e-16 : f32
    %add3A_38 = vector.broadcast %add3A_37 : f32 to vector<304x8xf32>
    %add3A_39 = arith.addf %dot_general3A_36, %add3A_38 : vector<304x8xf32>
    %div3A = arith.divf %exp3A, %add3A_39 : vector<304x8xf32>
    %get3A_40 = arith.constant 0 : index
    %get3A_41 = arith.constant 0 : index
    %get3A_42 = vector.load %arg17[%get3A_40, %get3A_41] : memref<8x512xf32, #tpu.memory_space<vmem>>, vector<8x512xf32>
    %dot_general3A_43 = arith.constant dense<0.000000e+00> : vector<304x512xf32>
    %dot_general3A_44 = tpu.matmul %div3A, %get3A_42, %dot_general3A_43 {dimension_numbers = #tpu.dot_dimension_numbers<[1], [0], [0], [1], [0, 0, 1, 1], [], []>, precision = #tpu.contract_precision<fp32>, transpose_lhs_hint = false} : vector<304x8xf32>, vector<8x512xf32>, vector<304x512xf32> -> vector<304x512xf32>
    %dot_general3A_45 = arith.constant dense<0.000000e+00> : vector<304x512xf32>
    %dot_general3A_46 = tpu.matmul %get3A_1, %dot_general3A_14, %dot_general3A_45 {dimension_numbers = #tpu.dot_dimension_numbers<[1], [0], [0], [1], [0, 0, 1, 1], [], []>, precision = #tpu.contract_precision<fp32>, transpose_lhs_hint = false} : vector<304x136xf32>, vector<136x512xf32>, vector<304x512xf32> -> vector<304x512xf32>
    %mul3A_47 = arith.mulf %dot_general3A_44, %dot_general3A_46 : vector<304x512xf32>
    %dot_general3A_48 = arith.constant dense<0.000000e+00> : vector<136x512xf32>
    %dot_general3A_49 = tpu.matmul %get3A_7, %mul3A_47, %dot_general3A_48 {dimension_numbers = #tpu.dot_dimension_numbers<[1], [0], [0], [1], [0, 0, 1, 1], [], []>, precision = #tpu.contract_precision<fp32>, transpose_lhs_hint = false} : vector<136x304xf32>, vector<304x512xf32>, vector<136x512xf32> -> vector<136x512xf32>
    %get3A_50 = arith.constant 0 : index
    %get3A_51 = arith.constant 0 : index
    %get3A_52 = vector.load %arg5[%get3A_50, %get3A_51] : memref<1x512xf32, #tpu.memory_space<vmem>>, vector<1x512xf32>
    %add3A_53 = vector.broadcast %get3A_52 : vector<1x512xf32> to vector<136x512xf32>
    %add3A_54 = arith.addf %dot_general3A_49, %add3A_53 : vector<136x512xf32>
    %gt3A = arith.constant 0.000000e+00 : f32
    %gt3A_55 = vector.broadcast %gt3A : f32 to vector<136x512xf32>
    %gt3A_56 = arith.cmpf ogt, %add3A_54, %gt3A_55 : vector<136x512xf32>
    %min3A = arith.constant 0.000000e+00 : f32
    %min3A_57 = vector.broadcast %min3A : f32 to vector<136x512xf32>
    %min3A_58 = arith.minimumf %add3A_54, %min3A_57 : vector<136x512xf32>
    %exp3A_59 = math.exp %min3A_58 : vector<136x512xf32>
    %sub3A_60 = arith.constant 1.000000e+00 : f32
    %sub3A_61 = vector.broadcast %sub3A_60 : f32 to vector<136x512xf32>
    %sub3A_62 = arith.subf %exp3A_59, %sub3A_61 : vector<136x512xf32>
    %select_n3A = arith.select %gt3A_56, %add3A_54, %sub3A_62 : vector<136x512xi1>, vector<136x512xf32>
    %get3A_63 = arith.constant 0 : index
    %get3A_64 = arith.constant 0 : index
    %get3A_65 = vector.load %arg6[%get3A_63, %get3A_64] : memref<512x1024xf32, #tpu.memory_space<vmem>>, vector<512x1024xf32>
    %dot_general3A_66 = arith.constant dense<0.000000e+00> : vector<136x1024xf32>
    %dot_general3A_67 = tpu.matmul %select_n3A, %get3A_65, %dot_general3A_66 {dimension_numbers = #tpu.dot_dimension_numbers<[1], [0], [0], [1], [0, 0, 1, 1], [], []>, precision = #tpu.contract_precision<fp32>, transpose_lhs_hint = false} : vector<136x512xf32>, vector<512x1024xf32>, vector<136x1024xf32> -> vector<136x1024xf32>
    %get3A_68 = arith.constant 0 : index
    %get3A_69 = arith.constant 0 : index
    %get3A_70 = vector.load %arg7[%get3A_68, %get3A_69] : memref<1024x8xf32, #tpu.memory_space<vmem>>, vector<1024x8xf32>
    %dot_general3A_71 = arith.constant dense<0.000000e+00> : vector<136x8xf32>
    %dot_general3A_72 = tpu.matmul %dot_general3A_67, %get3A_70, %dot_general3A_71 {dimension_numbers = #tpu.dot_dimension_numbers<[1], [0], [0], [1], [0, 0, 1, 1], [], []>, precision = #tpu.contract_precision<fp32>, transpose_lhs_hint = false} : vector<136x1024xf32>, vector<1024x8xf32>, vector<136x8xf32> -> vector<136x8xf32>
    %get3A_73 = arith.constant 0 : index
    %get3A_74 = arith.constant 0 : index
    %get3A_75 = vector.load %arg8[%get3A_73, %get3A_74] : memref<1024x8xf32, #tpu.memory_space<vmem>>, vector<1024x8xf32>
    %dot_general3A_76 = arith.constant dense<0.000000e+00> : vector<136x8xf32>
    %dot_general3A_77 = tpu.matmul %dot_general3A_67, %get3A_75, %dot_general3A_76 {dimension_numbers = #tpu.dot_dimension_numbers<[1], [0], [0], [1], [0, 0, 1, 1], [], []>, precision = #tpu.contract_precision<fp32>, transpose_lhs_hint = false} : vector<136x1024xf32>, vector<1024x8xf32>, vector<136x8xf32> -> vector<136x8xf32>
    %dot_general3A_78 = arith.constant dense<0.000000e+00> : vector<304x8xf32>
    %dot_general3A_79 = tpu.matmul %get3A_1, %dot_general3A_72, %dot_general3A_78 {dimension_numbers = #tpu.dot_dimension_numbers<[1], [0], [0], [1], [0, 0, 1, 1], [], []>, precision = #tpu.contract_precision<fp32>, transpose_lhs_hint = false} : vector<304x136xf32>, vector<136x8xf32>, vector<304x8xf32> -> vector<304x8xf32>
    %dot_general3A_80 = arith.constant dense<0.000000e+00> : vector<304x8xf32>
    %dot_general3A_81 = tpu.matmul %get3A_4, %dot_general3A_77, %dot_general3A_80 {dimension_numbers = #tpu.dot_dimension_numbers<[1], [0], [0], [1], [0, 0, 1, 1], [], []>, precision = #tpu.contract_precision<fp32>, transpose_lhs_hint = false} : vector<304x136xf32>, vector<136x8xf32>, vector<304x8xf32> -> vector<304x8xf32>
    %add3A_82 = arith.addf %dot_general3A_79, %dot_general3A_81 : vector<304x8xf32>
    %mul3A_83 = arith.constant 2.000000e-01 : f32
    %mul3A_84 = vector.broadcast %mul3A_83 : f32 to vector<304x8xf32>
    %mul3A_85 = arith.mulf %mul3A_84, %add3A_82 : vector<304x8xf32>
    %max3A_86 = arith.maximumf %add3A_82, %mul3A_85 : vector<304x8xf32>
    %reduce_max3A_87 = arith.constant dense<0xFF800000> : vector<8xf32>
    %reduce_max3A_88 = vector.multi_reduction <maximumf>, %max3A_86, %reduce_max3A_87 [0] : vector<304x8xf32> to vector<8xf32>
    %broadcast_in_dim3A_89 = vector.shape_cast %reduce_max3A_88 : vector<8xf32> to vector<1x8xf32>
    %sub3A_90 = vector.broadcast %broadcast_in_dim3A_89 : vector<1x8xf32> to vector<304x8xf32>
    %sub3A_91 = arith.subf %max3A_86, %sub3A_90 : vector<304x8xf32>
    %exp3A_92 = math.exp %sub3A_91 : vector<304x8xf32>
    %dot_general3A_93 = arith.constant dense<0.000000e+00> : vector<136x8xf32>
    %dot_general3A_94 = tpu.matmul %get3A_7, %exp3A_92, %dot_general3A_93 {dimension_numbers = #tpu.dot_dimension_numbers<[1], [0], [0], [1], [0, 0, 1, 1], [], []>, precision = #tpu.contract_precision<fp32>, transpose_lhs_hint = false} : vector<136x304xf32>, vector<304x8xf32>, vector<136x8xf32> -> vector<136x8xf32>
    %dot_general3A_95 = arith.constant dense<0.000000e+00> : vector<304x8xf32>
    %dot_general3A_96 = tpu.matmul %get3A_4, %dot_general3A_94, %dot_general3A_95 {dimension_numbers = #tpu.dot_dimension_numbers<[1], [0], [0], [1], [0, 0, 1, 1], [], []>, precision = #tpu.contract_precision<fp32>, transpose_lhs_hint = false} : vector<304x136xf32>, vector<136x8xf32>, vector<304x8xf32> -> vector<304x8xf32>
    %add3A_97 = arith.constant 1.000000e-16 : f32
    %add3A_98 = vector.broadcast %add3A_97 : f32 to vector<304x8xf32>
    %add3A_99 = arith.addf %dot_general3A_96, %add3A_98 : vector<304x8xf32>
    %div3A_100 = arith.divf %exp3A_92, %add3A_99 : vector<304x8xf32>
    %get3A_101 = arith.constant 0 : index
    %get3A_102 = arith.constant 0 : index
    %get3A_103 = vector.load %arg18[%get3A_101, %get3A_102] : memref<8x1024xf32, #tpu.memory_space<vmem>>, vector<8x1024xf32>
    %dot_general3A_104 = arith.constant dense<0.000000e+00> : vector<304x1024xf32>
    %dot_general3A_105 = tpu.matmul %div3A_100, %get3A_103, %dot_general3A_104 {dimension_numbers = #tpu.dot_dimension_numbers<[1], [0], [0], [1], [0, 0, 1, 1], [], []>, precision = #tpu.contract_precision<fp32>, transpose_lhs_hint = false} : vector<304x8xf32>, vector<8x1024xf32>, vector<304x1024xf32> -> vector<304x1024xf32>
    %dot_general3A_106 = arith.constant dense<0.000000e+00> : vector<304x1024xf32>
    %dot_general3A_107 = tpu.matmul %get3A_1, %dot_general3A_67, %dot_general3A_106 {dimension_numbers = #tpu.dot_dimension_numbers<[1], [0], [0], [1], [0, 0, 1, 1], [], []>, precision = #tpu.contract_precision<fp32>, transpose_lhs_hint = false} : vector<304x136xf32>, vector<136x1024xf32>, vector<304x1024xf32> -> vector<304x1024xf32>
    %mul3A_108 = arith.mulf %dot_general3A_105, %dot_general3A_107 : vector<304x1024xf32>
    %dot_general3A_109 = arith.constant dense<0.000000e+00> : vector<136x1024xf32>
    %dot_general3A_110 = tpu.matmul %get3A_7, %mul3A_108, %dot_general3A_109 {dimension_numbers = #tpu.dot_dimension_numbers<[1], [0], [0], [1], [0, 0, 1, 1], [], []>, precision = #tpu.contract_precision<fp32>, transpose_lhs_hint = false} : vector<136x304xf32>, vector<304x1024xf32>, vector<136x1024xf32> -> vector<136x1024xf32>
    %get3A_111 = arith.constant 0 : index
    %get3A_112 = arith.constant 0 : index
    %get3A_113 = vector.load %arg9[%get3A_111, %get3A_112] : memref<1x1024xf32, #tpu.memory_space<vmem>>, vector<1x1024xf32>
    %add3A_114 = vector.broadcast %get3A_113 : vector<1x1024xf32> to vector<136x1024xf32>
    %add3A_115 = arith.addf %dot_general3A_110, %add3A_114 : vector<136x1024xf32>
    %gt3A_116 = arith.constant 0.000000e+00 : f32
    %gt3A_117 = vector.broadcast %gt3A_116 : f32 to vector<136x1024xf32>
    %gt3A_118 = arith.cmpf ogt, %add3A_115, %gt3A_117 : vector<136x1024xf32>
    %min3A_119 = arith.constant 0.000000e+00 : f32
    %min3A_120 = vector.broadcast %min3A_119 : f32 to vector<136x1024xf32>
    %min3A_121 = arith.minimumf %add3A_115, %min3A_120 : vector<136x1024xf32>
    %exp3A_122 = math.exp %min3A_121 : vector<136x1024xf32>
    %sub3A_123 = arith.constant 1.000000e+00 : f32
    %sub3A_124 = vector.broadcast %sub3A_123 : f32 to vector<136x1024xf32>
    %sub3A_125 = arith.subf %exp3A_122, %sub3A_124 : vector<136x1024xf32>
    %select_n3A_126 = arith.select %gt3A_118, %add3A_115, %sub3A_125 : vector<136x1024xi1>, vector<136x1024xf32>
    %get3A_127 = arith.constant 0 : index
    %get3A_128 = arith.constant 0 : index
    %get3A_129 = vector.load %arg10[%get3A_127, %get3A_128] : memref<1024x2048xf32, #tpu.memory_space<vmem>>, vector<1024x2048xf32>
    %dot_general3A_130 = arith.constant dense<0.000000e+00> : vector<136x2048xf32>
    %dot_general3A_131 = tpu.matmul %select_n3A_126, %get3A_129, %dot_general3A_130 {dimension_numbers = #tpu.dot_dimension_numbers<[1], [0], [0], [1], [0, 0, 1, 1], [], []>, precision = #tpu.contract_precision<fp32>, transpose_lhs_hint = false} : vector<136x1024xf32>, vector<1024x2048xf32>, vector<136x2048xf32> -> vector<136x2048xf32>
    %get3A_132 = arith.constant 0 : index
    %get3A_133 = arith.constant 0 : index
    %get3A_134 = vector.load %arg11[%get3A_132, %get3A_133] : memref<2048x8xf32, #tpu.memory_space<vmem>>, vector<2048x8xf32>
    %dot_general3A_135 = arith.constant dense<0.000000e+00> : vector<136x8xf32>
    %dot_general3A_136 = tpu.matmul %dot_general3A_131, %get3A_134, %dot_general3A_135 {dimension_numbers = #tpu.dot_dimension_numbers<[1], [0], [0], [1], [0, 0, 1, 1], [], []>, precision = #tpu.contract_precision<fp32>, transpose_lhs_hint = false} : vector<136x2048xf32>, vector<2048x8xf32>, vector<136x8xf32> -> vector<136x8xf32>
    %get3A_137 = arith.constant 0 : index
    %get3A_138 = arith.constant 0 : index
    %get3A_139 = vector.load %arg12[%get3A_137, %get3A_138] : memref<2048x8xf32, #tpu.memory_space<vmem>>, vector<2048x8xf32>
    %dot_general3A_140 = arith.constant dense<0.000000e+00> : vector<136x8xf32>
    %dot_general3A_141 = tpu.matmul %dot_general3A_131, %get3A_139, %dot_general3A_140 {dimension_numbers = #tpu.dot_dimension_numbers<[1], [0], [0], [1], [0, 0, 1, 1], [], []>, precision = #tpu.contract_precision<fp32>, transpose_lhs_hint = false} : vector<136x2048xf32>, vector<2048x8xf32>, vector<136x8xf32> -> vector<136x8xf32>
    %dot_general3A_142 = arith.constant dense<0.000000e+00> : vector<304x8xf32>
    %dot_general3A_143 = tpu.matmul %get3A_1, %dot_general3A_136, %dot_general3A_142 {dimension_numbers = #tpu.dot_dimension_numbers<[1], [0], [0], [1], [0, 0, 1, 1], [], []>, precision = #tpu.contract_precision<fp32>, transpose_lhs_hint = false} : vector<304x136xf32>, vector<136x8xf32>, vector<304x8xf32> -> vector<304x8xf32>
    %dot_general3A_144 = arith.constant dense<0.000000e+00> : vector<304x8xf32>
    %dot_general3A_145 = tpu.matmul %get3A_4, %dot_general3A_141, %dot_general3A_144 {dimension_numbers = #tpu.dot_dimension_numbers<[1], [0], [0], [1], [0, 0, 1, 1], [], []>, precision = #tpu.contract_precision<fp32>, transpose_lhs_hint = false} : vector<304x136xf32>, vector<136x8xf32>, vector<304x8xf32> -> vector<304x8xf32>
    %add3A_146 = arith.addf %dot_general3A_143, %dot_general3A_145 : vector<304x8xf32>
    %mul3A_147 = arith.constant 2.000000e-01 : f32
    %mul3A_148 = vector.broadcast %mul3A_147 : f32 to vector<304x8xf32>
    %mul3A_149 = arith.mulf %mul3A_148, %add3A_146 : vector<304x8xf32>
    %max3A_150 = arith.maximumf %add3A_146, %mul3A_149 : vector<304x8xf32>
    %reduce_max3A_151 = arith.constant dense<0xFF800000> : vector<8xf32>
    %reduce_max3A_152 = vector.multi_reduction <maximumf>, %max3A_150, %reduce_max3A_151 [0] : vector<304x8xf32> to vector<8xf32>
    %broadcast_in_dim3A_153 = vector.shape_cast %reduce_max3A_152 : vector<8xf32> to vector<1x8xf32>
    %sub3A_154 = vector.broadcast %broadcast_in_dim3A_153 : vector<1x8xf32> to vector<304x8xf32>
    %sub3A_155 = arith.subf %max3A_150, %sub3A_154 : vector<304x8xf32>
    %exp3A_156 = math.exp %sub3A_155 : vector<304x8xf32>
    %dot_general3A_157 = arith.constant dense<0.000000e+00> : vector<136x8xf32>
    %dot_general3A_158 = tpu.matmul %get3A_7, %exp3A_156, %dot_general3A_157 {dimension_numbers = #tpu.dot_dimension_numbers<[1], [0], [0], [1], [0, 0, 1, 1], [], []>, precision = #tpu.contract_precision<fp32>, transpose_lhs_hint = false} : vector<136x304xf32>, vector<304x8xf32>, vector<136x8xf32> -> vector<136x8xf32>
    %dot_general3A_159 = arith.constant dense<0.000000e+00> : vector<304x8xf32>
    %dot_general3A_160 = tpu.matmul %get3A_4, %dot_general3A_158, %dot_general3A_159 {dimension_numbers = #tpu.dot_dimension_numbers<[1], [0], [0], [1], [0, 0, 1, 1], [], []>, precision = #tpu.contract_precision<fp32>, transpose_lhs_hint = false} : vector<304x136xf32>, vector<136x8xf32>, vector<304x8xf32> -> vector<304x8xf32>
    %add3A_161 = arith.constant 1.000000e-16 : f32
    %add3A_162 = vector.broadcast %add3A_161 : f32 to vector<304x8xf32>
    %add3A_163 = arith.addf %dot_general3A_160, %add3A_162 : vector<304x8xf32>
    %div3A_164 = arith.divf %exp3A_156, %add3A_163 : vector<304x8xf32>
    %get3A_165 = arith.constant 0 : index
    %get3A_166 = arith.constant 0 : index
    %get3A_167 = vector.load %arg19[%get3A_165, %get3A_166] : memref<8x2048xf32, #tpu.memory_space<vmem>>, vector<8x2048xf32>
    %dot_general3A_168 = arith.constant dense<0.000000e+00> : vector<304x2048xf32>
    %dot_general3A_169 = tpu.matmul %div3A_164, %get3A_167, %dot_general3A_168 {dimension_numbers = #tpu.dot_dimension_numbers<[1], [0], [0], [1], [0, 0, 1, 1], [], []>, precision = #tpu.contract_precision<fp32>, transpose_lhs_hint = false} : vector<304x8xf32>, vector<8x2048xf32>, vector<304x2048xf32> -> vector<304x2048xf32>
    %dot_general3A_170 = arith.constant dense<0.000000e+00> : vector<304x2048xf32>
    %dot_general3A_171 = tpu.matmul %get3A_1, %dot_general3A_131, %dot_general3A_170 {dimension_numbers = #tpu.dot_dimension_numbers<[1], [0], [0], [1], [0, 0, 1, 1], [], []>, precision = #tpu.contract_precision<fp32>, transpose_lhs_hint = false} : vector<304x136xf32>, vector<136x2048xf32>, vector<304x2048xf32> -> vector<304x2048xf32>
    %mul3A_172 = arith.mulf %dot_general3A_169, %dot_general3A_171 : vector<304x2048xf32>
    %dot_general3A_173 = arith.constant dense<0.000000e+00> : vector<136x2048xf32>
    %dot_general3A_174 = tpu.matmul %get3A_7, %mul3A_172, %dot_general3A_173 {dimension_numbers = #tpu.dot_dimension_numbers<[1], [0], [0], [1], [0, 0, 1, 1], [], []>, precision = #tpu.contract_precision<fp32>, transpose_lhs_hint = false} : vector<136x304xf32>, vector<304x2048xf32>, vector<136x2048xf32> -> vector<136x2048xf32>
    %slice3A = vector.extract_strided_slice %dot_general3A_174 {offsets = [0, 0], sizes = [136, 256], strides = [1, 1]} : vector<136x2048xf32> to vector<136x256xf32>
    %slice3A_175 = vector.extract_strided_slice %dot_general3A_174 {offsets = [0, 256], sizes = [136, 256], strides = [1, 1]} : vector<136x2048xf32> to vector<136x256xf32>
    %add3A_176 = arith.addf %slice3A, %slice3A_175 : vector<136x256xf32>
    %slice3A_177 = vector.extract_strided_slice %dot_general3A_174 {offsets = [0, 512], sizes = [136, 256], strides = [1, 1]} : vector<136x2048xf32> to vector<136x256xf32>
    %add3A_178 = arith.addf %add3A_176, %slice3A_177 : vector<136x256xf32>
    %slice3A_179 = vector.extract_strided_slice %dot_general3A_174 {offsets = [0, 768], sizes = [136, 256], strides = [1, 1]} : vector<136x2048xf32> to vector<136x256xf32>
    %add3A_180 = arith.addf %add3A_178, %slice3A_179 : vector<136x256xf32>
    %slice3A_181 = vector.extract_strided_slice %dot_general3A_174 {offsets = [0, 1024], sizes = [136, 256], strides = [1, 1]} : vector<136x2048xf32> to vector<136x256xf32>
    %add3A_182 = arith.addf %add3A_180, %slice3A_181 : vector<136x256xf32>
    %slice3A_183 = vector.extract_strided_slice %dot_general3A_174 {offsets = [0, 1280], sizes = [136, 256], strides = [1, 1]} : vector<136x2048xf32> to vector<136x256xf32>
    %add3A_184 = arith.addf %add3A_182, %slice3A_183 : vector<136x256xf32>
    %slice3A_185 = vector.extract_strided_slice %dot_general3A_174 {offsets = [0, 1536], sizes = [136, 256], strides = [1, 1]} : vector<136x2048xf32> to vector<136x256xf32>
    %add3A_186 = arith.addf %add3A_184, %slice3A_185 : vector<136x256xf32>
    %slice3A_187 = vector.extract_strided_slice %dot_general3A_174 {offsets = [0, 1792], sizes = [136, 256], strides = [1, 1]} : vector<136x2048xf32> to vector<136x256xf32>
    %add3A_188 = arith.addf %add3A_186, %slice3A_187 : vector<136x256xf32>
    %mul3A_189 = arith.constant 1.250000e-01 : f32
    %mul3A_190 = vector.broadcast %mul3A_189 : f32 to vector<136x256xf32>
    %mul3A_191 = arith.mulf %add3A_188, %mul3A_190 : vector<136x256xf32>
    %get3A_192 = arith.constant 0 : index
    %get3A_193 = arith.constant 0 : index
    %get3A_194 = vector.load %arg13[%get3A_192, %get3A_193] : memref<1x256xf32, #tpu.memory_space<vmem>>, vector<1x256xf32>
    %add3A_195 = vector.broadcast %get3A_194 : vector<1x256xf32> to vector<136x256xf32>
    %add3A_196 = arith.addf %mul3A_191, %add3A_195 : vector<136x256xf32>
    %get3A_197 = arith.constant 0 : index
    %get3A_198 = arith.constant 0 : index
    %get3A_199 = vector.load %arg20[%get3A_197, %get3A_198] : memref<136x1xf32, #tpu.memory_space<vmem>>, vector<136x1xf32>
    %mul3A_200 = vector.broadcast %get3A_199 : vector<136x1xf32> to vector<136x256xf32>
    %mul3A_201 = arith.mulf %add3A_196, %mul3A_200 : vector<136x256xf32>
    %swap3A = arith.constant 0 : index
    %swap3A_202 = arith.constant 0 : index
    %swap3A_203 = vector.load %arg21[%swap3A, %swap3A_202] : memref<136x256xf32, #tpu.memory_space<vmem>>, vector<136x256xf32>
    tpu.vector_store %arg21[%swap3A, %swap3A_202], %mul3A_201 {strides = array<i32>} : memref<136x256xf32, #tpu.memory_space<vmem>>, vector<136x256xf32>,
    return
  }
  func.func @transform_0(%arg0: i32) -> (i32, i32) {
    %c0_i32 = arith.constant 0 : i32
    %c0_i32_0 = arith.constant 0 : i32
    return %arg0, %c0_i32 : i32, i32
  }
  func.func @transform_1(%arg0: i32) -> (i32, i32) {
    %c0_i32 = arith.constant 0 : i32
    %c0_i32_0 = arith.constant 0 : i32
    %c0_i32_1 = arith.constant 0 : i32
    return %c0_i32, %c0_i32_0 : i32, i32
  }
  func.func @transform_2(%arg0: i32) -> (i32, i32) {
    %c0_i32 = arith.constant 0 : i32
    %c0_i32_0 = arith.constant 0 : i32
    %c0_i32_1 = arith.constant 0 : i32
    return %c0_i32, %c0_i32_0 : i32, i32
  }
  func.func @transform_3(%arg0: i32) -> (i32, i32) {
    %c0_i32 = arith.constant 0 : i32
    %c0_i32_0 = arith.constant 0 : i32
    %c0_i32_1 = arith.constant 0 : i32
    return %c0_i32, %c0_i32_0 : i32, i32
  }
  func.func @transform_4(%arg0: i32) -> (i32, i32) {
    %c0_i32 = arith.constant 0 : i32
    %c0_i32_0 = arith.constant 0 : i32
    %c0_i32_1 = arith.constant 0 : i32
    return %c0_i32, %c0_i32_0 : i32, i32
  }
  func.func @transform_5(%arg0: i32) -> (i32, i32) {
    %c0_i32 = arith.constant 0 : i32
    %c0_i32_0 = arith.constant 0 : i32
    %c0_i32_1 = arith.constant 0 : i32
    return %c0_i32, %c0_i32_0 : i32, i32
  }
  func.func @transform_6(%arg0: i32) -> (i32, i32) {
    %c0_i32 = arith.constant 0 : i32
    %c0_i32_0 = arith.constant 0 : i32
    %c0_i32_1 = arith.constant 0 : i32
    return %c0_i32, %c0_i32_0 : i32, i32
  }
  func.func @transform_7(%arg0: i32) -> (i32, i32) {
    %c0_i32 = arith.constant 0 : i32
    %c0_i32_0 = arith.constant 0 : i32
    %c0_i32_1 = arith.constant 0 : i32
    return %c0_i32, %c0_i32_0 : i32, i32
  }
  func.func @transform_8(%arg0: i32) -> (i32, i32) {
    %c0_i32 = arith.constant 0 : i32
    %c0_i32_0 = arith.constant 0 : i32
    %c0_i32_1 = arith.constant 0 : i32
    return %c0_i32, %c0_i32_0 : i32, i32
  }
  func.func @transform_9(%arg0: i32) -> (i32, i32) {
    %c0_i32 = arith.constant 0 : i32
    %c0_i32_0 = arith.constant 0 : i32
    %c0_i32_1 = arith.constant 0 : i32
    return %c0_i32, %c0_i32_0 : i32, i32
  }
  func.func @transform_10(%arg0: i32) -> (i32, i32) {
    %c0_i32 = arith.constant 0 : i32
    %c0_i32_0 = arith.constant 0 : i32
    %c0_i32_1 = arith.constant 0 : i32
    return %c0_i32, %c0_i32_0 : i32, i32
  }
  func.func @transform_11(%arg0: i32) -> (i32, i32) {
    %c0_i32 = arith.constant 0 : i32
    %c0_i32_0 = arith.constant 0 : i32
    %c0_i32_1 = arith.constant 0 : i32
    return %c0_i32, %c0_i32_0 : i32, i32
  }
  func.func @transform_12(%arg0: i32) -> (i32, i32) {
    %c0_i32 = arith.constant 0 : i32
    %c0_i32_0 = arith.constant 0 : i32
    %c0_i32_1 = arith.constant 0 : i32
    return %c0_i32, %c0_i32_0 : i32, i32
  }
  func.func @transform_13(%arg0: i32) -> (i32, i32) {
    %c0_i32 = arith.constant 0 : i32
    %c0_i32_0 = arith.constant 0 : i32
    %c0_i32_1 = arith.constant 0 : i32
    return %c0_i32, %c0_i32_0 : i32, i32
  }
  func.func @transform_14(%arg0: i32) -> (i32, i32) {
    %c0_i32 = arith.constant 0 : i32
    %c0_i32_0 = arith.constant 0 : i32
    %c0_i32_1 = arith.constant 0 : i32
    return %c0_i32, %c0_i32_0 : i32, i32
  }
  func.func @transform_15(%arg0: i32) -> (i32, i32) {
    %c0_i32 = arith.constant 0 : i32
    %c0_i32_0 = arith.constant 0 : i32
    %c0_i32_1 = arith.constant 0 : i32
    return %c0_i32, %c0_i32_0 : i32, i32
  }
  func.func @transform_16(%arg0: i32) -> (i32, i32) {
    %c0_i32 = arith.constant 0 : i32
    %c0_i32_0 = arith.constant 0 : i32
    %c0_i32_1 = arith.constant 0 : i32
    return %c0_i32, %c0_i32_0 : i32, i32
  }
  func.func @transform_17(%arg0: i32) -> (i32, i32) {
    %c0_i32 = arith.constant 0 : i32
    %c0_i32_0 = arith.constant 0 : i32
    %c0_i32_1 = arith.constant 0 : i32
    return %c0_i32, %c0_i32_0 : i32, i32
  }
  func.func @transform_18(%arg0: i32) -> (i32, i32) {
    %c0_i32 = arith.constant 0 : i32
    %c0_i32_0 = arith.constant 0 : i32
    %c0_i32_1 = arith.constant 0 : i32
    return %c0_i32, %c0_i32_0 : i32, i32
  }
  func.func @transform_19(%arg0: i32) -> (i32, i32) {
    %c0_i32 = arith.constant 0 : i32
    %c0_i32_0 = arith.constant 0 : i32
    return %arg0, %c0_i32 : i32, i32
  }
  func.func @transform_20(%arg0: i32) -> (i32, i32) {
    %c0_i32 = arith.constant 0 : i32
    %c0_i32_0 = arith.constant 0 : i32
    return %arg0, %c0_i32 : i32, i32
  }
}

module attributes {stable_mosaic.version = 14 : i64} {
  func.func @_pe_body(%arg0: memref<3072x17xf32, #tpu.memory_space<vmem>>, %arg1: memref<3072x17xf32, #tpu.memory_space<vmem>>, %arg2: memref<17x38xf32, #tpu.memory_space<vmem>>, %arg3: memref<38x512xf32, #tpu.memory_space<vmem>>, %arg4: memref<38x512xf32, #tpu.memory_space<vmem>>, %arg5: memref<1x512xf32, #tpu.memory_space<vmem>>, %arg6: memref<3072x1xf32, #tpu.memory_space<vmem>>, %arg7: memref<3072x512xf32, #tpu.memory_space<vmem>>) attributes {dimension_semantics = [], scalar_prefetch = 0 : i64, scratch_operands = 0 : i64, tpu.core_type = #tpu.core_type<tc>} {
    %get3A = arith.constant 0 : index
    %get3A_0 = arith.constant 0 : index
    %get3A_1 = vector.load %arg0[%get3A, %get3A_0] : memref<3072x17xf32, #tpu.memory_space<vmem>>, vector<3072x17xf32>
    %get3A_2 = arith.constant 0 : index
    %get3A_3 = arith.constant 0 : index
    %get3A_4 = vector.load %arg2[%get3A_2, %get3A_3] : memref<17x38xf32, #tpu.memory_space<vmem>>, vector<17x38xf32>
    %dot_general3A = arith.constant dense<0.000000e+00> : vector<3072x38xf32>
    %dot_general3A_5 = tpu.matmul %get3A_1, %get3A_4, %dot_general3A {dimension_numbers = #tpu.dot_dimension_numbers<[1], [0], [0], [1], [0, 0, 1, 1], [], []>, precision = #tpu.contract_precision<fp32>, transpose_lhs_hint = false} : vector<3072x17xf32>, vector<17x38xf32>, vector<3072x38xf32> -> vector<3072x38xf32>
    %get3A_6 = arith.constant 0 : index
    %get3A_7 = arith.constant 0 : index
    %get3A_8 = vector.load %arg1[%get3A_6, %get3A_7] : memref<3072x17xf32, #tpu.memory_space<vmem>>, vector<3072x17xf32>
    %get3A_9 = arith.constant 0 : index
    %get3A_10 = arith.constant 0 : index
    %get3A_11 = vector.load %arg2[%get3A_9, %get3A_10] : memref<17x38xf32, #tpu.memory_space<vmem>>, vector<17x38xf32>
    %dot_general3A_12 = arith.constant dense<0.000000e+00> : vector<3072x38xf32>
    %dot_general3A_13 = tpu.matmul %get3A_8, %get3A_11, %dot_general3A_12 {dimension_numbers = #tpu.dot_dimension_numbers<[1], [0], [0], [1], [0, 0, 1, 1], [], []>, precision = #tpu.contract_precision<fp32>, transpose_lhs_hint = false} : vector<3072x17xf32>, vector<17x38xf32>, vector<3072x38xf32> -> vector<3072x38xf32>
    %mul3A = arith.mulf %dot_general3A_5, %dot_general3A_5 : vector<3072x38xf32>
    %mul3A_14 = arith.mulf %dot_general3A_13, %dot_general3A_13 : vector<3072x38xf32>
    %add3A = arith.addf %mul3A, %mul3A_14 : vector<3072x38xf32>
    %sqrt3A = math.sqrt %add3A : vector<3072x38xf32>
    %atan23A = math.atan2 %dot_general3A_13, %dot_general3A_5 : vector<3072x38xf32>
    %get3A_15 = arith.constant 0 : index
    %get3A_16 = arith.constant 0 : index
    %get3A_17 = vector.load %arg3[%get3A_15, %get3A_16] : memref<38x512xf32, #tpu.memory_space<vmem>>, vector<38x512xf32>
    %dot_general3A_18 = arith.constant dense<0.000000e+00> : vector<3072x512xf32>
    %dot_general3A_19 = tpu.matmul %sqrt3A, %get3A_17, %dot_general3A_18 {dimension_numbers = #tpu.dot_dimension_numbers<[1], [0], [0], [1], [0, 0, 1, 1], [], []>, precision = #tpu.contract_precision<fp32>, transpose_lhs_hint = false} : vector<3072x38xf32>, vector<38x512xf32>, vector<3072x512xf32> -> vector<3072x512xf32>
    %get3A_20 = arith.constant 0 : index
    %get3A_21 = arith.constant 0 : index
    %get3A_22 = vector.load %arg4[%get3A_20, %get3A_21] : memref<38x512xf32, #tpu.memory_space<vmem>>, vector<38x512xf32>
    %dot_general3A_23 = arith.constant dense<0.000000e+00> : vector<3072x512xf32>
    %dot_general3A_24 = tpu.matmul %atan23A, %get3A_22, %dot_general3A_23 {dimension_numbers = #tpu.dot_dimension_numbers<[1], [0], [0], [1], [0, 0, 1, 1], [], []>, precision = #tpu.contract_precision<fp32>, transpose_lhs_hint = false} : vector<3072x38xf32>, vector<38x512xf32>, vector<3072x512xf32> -> vector<3072x512xf32>
    %add3A_25 = arith.addf %dot_general3A_19, %dot_general3A_24 : vector<3072x512xf32>
    %get3A_26 = arith.constant 0 : index
    %get3A_27 = arith.constant 0 : index
    %get3A_28 = vector.load %arg5[%get3A_26, %get3A_27] : memref<1x512xf32, #tpu.memory_space<vmem>>, vector<1x512xf32>
    %add3A_29 = vector.broadcast %get3A_28 : vector<1x512xf32> to vector<3072x512xf32>
    %add3A_30 = arith.addf %add3A_25, %add3A_29 : vector<3072x512xf32>
    %get3A_31 = arith.constant 0 : index
    %get3A_32 = arith.constant 0 : index
    %get3A_33 = vector.load %arg6[%get3A_31, %get3A_32] : memref<3072x1xf32, #tpu.memory_space<vmem>>, vector<3072x1xf32>
    %mul3A_34 = vector.broadcast %get3A_33 : vector<3072x1xf32> to vector<3072x512xf32>
    %mul3A_35 = arith.mulf %add3A_30, %mul3A_34 : vector<3072x512xf32>
    %swap3A = arith.constant 0 : index
    %swap3A_36 = arith.constant 0 : index
    %swap3A_37 = vector.load %arg7[%swap3A, %swap3A_36] : memref<3072x512xf32, #tpu.memory_space<vmem>>, vector<3072x512xf32>
    tpu.vector_store %arg7[%swap3A, %swap3A_36], %mul3A_35 {strides = array<i32>} : memref<3072x512xf32, #tpu.memory_space<vmem>>, vector<3072x512xf32>,
    return
  }
}

module attributes {stable_mosaic.version = 14 : i64} {
  func.func @_u_body(%arg0: i32, %arg1: memref<48x4352xf32, #tpu.memory_space<vmem>>, %arg2: memref<4352x256xf32, #tpu.memory_space<vmem>>, %arg3: memref<4352x256xf32, #tpu.memory_space<vmem>>, %arg4: memref<48x256xf32, #tpu.memory_space<vmem>>, %arg5: memref<2x256xf32, #tpu.memory_space<vmem>>) attributes {dimension_semantics = [#tpu.dimension_semantics<arbitrary>], iteration_bounds = array<i64: 8>, scalar_prefetch = 0 : i64, scratch_operands = 0 : i64, tpu.core_type = #tpu.core_type<tc>, window_params = [{pipeline_mode = #tpu.pipeline_mode<synchronous>, transform_indices = @transform_0, window_bounds = array<i64: 48, 4352>}, {transform_indices = @transform_1, window_bounds = array<i64: 4352, 256>}, {transform_indices = @transform_2, window_bounds = array<i64: 4352, 256>}, {transform_indices = @transform_3, window_bounds = array<i64: 48, 256>}, {transform_indices = @transform_4, window_bounds = array<i64: 2, 256>}]} {
    %get3A = arith.constant 0 : index
    %get3A_0 = arith.constant 0 : index
    %get3A_1 = vector.load %arg1[%get3A, %get3A_0] : memref<48x4352xf32, #tpu.memory_space<vmem>>, vector<48x4352xf32>
    %get3A_2 = arith.constant 0 : index
    %get3A_3 = arith.constant 0 : index
    %get3A_4 = vector.load %arg2[%get3A_2, %get3A_3] : memref<4352x256xf32, #tpu.memory_space<vmem>>, vector<4352x256xf32>
    %dot_general3A = arith.constant dense<0.000000e+00> : vector<48x256xf32>
    %dot_general3A_5 = tpu.matmul %get3A_1, %get3A_4, %dot_general3A {dimension_numbers = #tpu.dot_dimension_numbers<[1], [0], [0], [1], [0, 0, 1, 1], [], []>, precision = #tpu.contract_precision<fp32>, transpose_lhs_hint = false} : vector<48x4352xf32>, vector<4352x256xf32>, vector<48x256xf32> -> vector<48x256xf32>
    %swap3A = arith.constant 0 : index
    %swap3A_6 = arith.constant 0 : index
    %swap3A_7 = vector.load %arg4[%swap3A, %swap3A_6] : memref<48x256xf32, #tpu.memory_space<vmem>>, vector<48x256xf32>
    tpu.vector_store %arg4[%swap3A, %swap3A_6], %dot_general3A_5 {strides = array<i32>} : memref<48x256xf32, #tpu.memory_space<vmem>>, vector<48x256xf32>,
    %slice3A = vector.extract_strided_slice %get3A_1 {offsets = [46, 0], sizes = [2, 4352], strides = [1, 1]} : vector<48x4352xf32> to vector<2x4352xf32>
    %get3A_8 = arith.constant 0 : index
    %get3A_9 = arith.constant 0 : index
    %get3A_10 = vector.load %arg3[%get3A_8, %get3A_9] : memref<4352x256xf32, #tpu.memory_space<vmem>>, vector<4352x256xf32>
    %dot_general3A_11 = arith.constant dense<0.000000e+00> : vector<2x256xf32>
    %dot_general3A_12 = tpu.matmul %slice3A, %get3A_10, %dot_general3A_11 {dimension_numbers = #tpu.dot_dimension_numbers<[1], [0], [0], [1], [0, 0, 1, 1], [], []>, precision = #tpu.contract_precision<fp32>, transpose_lhs_hint = false} : vector<2x4352xf32>, vector<4352x256xf32>, vector<2x256xf32> -> vector<2x256xf32>
    %swap3A_13 = arith.constant 0 : index
    %swap3A_14 = arith.constant 0 : index
    %swap3A_15 = vector.load %arg5[%swap3A_13, %swap3A_14] : memref<2x256xf32, #tpu.memory_space<vmem>>, vector<2x256xf32>
    tpu.vector_store %arg5[%swap3A_13, %swap3A_14], %dot_general3A_12 {strides = array<i32>} : memref<2x256xf32, #tpu.memory_space<vmem>>, vector<2x256xf32>,
    return
  }
  func.func @transform_0(%arg0: i32) -> (i32, i32) {
    %c0_i32 = arith.constant 0 : i32
    %c0_i32_0 = arith.constant 0 : i32
    %c0_i32_1 = arith.constant 0 : i32
    return %c0_i32, %c0_i32_0 : i32, i32
  }
  func.func @transform_1(%arg0: i32) -> (i32, i32) {
    %c0_i32 = arith.constant 0 : i32
    %c0_i32_0 = arith.constant 0 : i32
    return %c0_i32, %arg0 : i32, i32
  }
  func.func @transform_2(%arg0: i32) -> (i32, i32) {
    %c0_i32 = arith.constant 0 : i32
    %c0_i32_0 = arith.constant 0 : i32
    return %c0_i32, %arg0 : i32, i32
  }
  func.func @transform_3(%arg0: i32) -> (i32, i32) {
    %c0_i32 = arith.constant 0 : i32
    %c0_i32_0 = arith.constant 0 : i32
    return %c0_i32, %arg0 : i32, i32
  }
  func.func @transform_4(%arg0: i32) -> (i32, i32) {
    %c0_i32 = arith.constant 0 : i32
    %c0_i32_0 = arith.constant 0 : i32
    return %c0_i32, %arg0 : i32, i32
  }
}

module attributes {stable_mosaic.version = 14 : i64} {
  func.func @_lstm_body(%arg0: i32, %arg1: memref<128x512xf32, #tpu.memory_space<vmem>>, %arg2: memref<1x2x2048xf32, #tpu.memory_space<vmem>>, %arg3: memref<512x2048xf32, #tpu.memory_space<vmem>>, %arg4: memref<512x2048xf32, #tpu.memory_space<vmem>>, %arg5: memref<1x2048xf32, #tpu.memory_space<vmem>>, %arg6: memref<128x512xf32, #tpu.memory_space<vmem>>, %arg7: memref<128x512xf32, #tpu.memory_space<vmem>>, %arg8: memref<128x512xf32, #tpu.memory_space<vmem>>) attributes {dimension_semantics = [#tpu.dimension_semantics<arbitrary>], iteration_bounds = array<i64: 24>, scalar_prefetch = 0 : i64, scratch_operands = 2 : i64, tpu.core_type = #tpu.core_type<tc>, window_params = [{transform_indices = @transform_0, window_bounds = array<i64: 128, 512>}, {transform_indices = @transform_1, window_bounds = array<i64: 1, 2, 2048>}, {pipeline_mode = #tpu.pipeline_mode<synchronous>, transform_indices = @transform_2, window_bounds = array<i64: 512, 2048>}, {pipeline_mode = #tpu.pipeline_mode<synchronous>, transform_indices = @transform_3, window_bounds = array<i64: 512, 2048>}, {pipeline_mode = #tpu.pipeline_mode<synchronous>, transform_indices = @transform_4, window_bounds = array<i64: 1, 2048>}, {pipeline_mode = #tpu.pipeline_mode<synchronous>, transform_indices = @transform_5, window_bounds = array<i64: 128, 512>}]} {
    %eq3A = arith.constant 0 : i32
    %eq3A_0 = arith.cmpi eq, %arg0, %eq3A : i32
    %convert_element_type3A = arith.extui %eq3A_0 : i1 to i32
    %cond3A = arith.constant 0 : i32
    %cond3A_1 = arith.cmpi ne, %convert_element_type3A, %cond3A : i32
    scf.if %cond3A_1 {
      %broadcast_in_dim3A_89 = arith.constant 0.000000e+00 : f32
      %broadcast_in_dim3A_90 = vector.broadcast %broadcast_in_dim3A_89 : f32 to vector<128x512xf32>
      %swap3A_91 = arith.constant 0 : index
      %swap3A_92 = arith.constant 0 : index
      %swap3A_93 = vector.load %arg7[%swap3A_91, %swap3A_92] : memref<128x512xf32, #tpu.memory_space<vmem>>, vector<128x512xf32>
      tpu.vector_store %arg7[%swap3A_91, %swap3A_92], %broadcast_in_dim3A_90 {strides = array<i32>} : memref<128x512xf32, #tpu.memory_space<vmem>>, vector<128x512xf32>,
      %broadcast_in_dim3A_94 = arith.constant 0.000000e+00 : f32
      %broadcast_in_dim3A_95 = vector.broadcast %broadcast_in_dim3A_94 : f32 to vector<128x512xf32>
      %swap3A_96 = arith.constant 0 : index
      %swap3A_97 = arith.constant 0 : index
      %swap3A_98 = vector.load %arg8[%swap3A_96, %swap3A_97] : memref<128x512xf32, #tpu.memory_space<vmem>>, vector<128x512xf32>
      tpu.vector_store %arg8[%swap3A_96, %swap3A_97], %broadcast_in_dim3A_95 {strides = array<i32>} : memref<128x512xf32, #tpu.memory_space<vmem>>, vector<128x512xf32>,
    } else {
    }
    %get3A = arith.constant 0 : index
    %get3A_2 = arith.constant 0 : index
    %get3A_3 = vector.load %arg1[%get3A, %get3A_2] : memref<128x512xf32, #tpu.memory_space<vmem>>, vector<128x512xf32>
    %get3A_4 = arith.constant 0 : index
    %get3A_5 = arith.constant 0 : index
    %get3A_6 = vector.load %arg3[%get3A_4, %get3A_5] : memref<512x2048xf32, #tpu.memory_space<vmem>>, vector<512x2048xf32>
    %dot_general3A = arith.constant dense<0.000000e+00> : vector<128x2048xf32>
    %dot_general3A_7 = tpu.matmul %get3A_3, %get3A_6, %dot_general3A {dimension_numbers = #tpu.dot_dimension_numbers<[1], [0], [0], [1], [0, 0, 1, 1], [], []>, precision = #tpu.contract_precision<fp32>, transpose_lhs_hint = false} : vector<128x512xf32>, vector<512x2048xf32>, vector<128x2048xf32> -> vector<128x2048xf32>
    %get3A_8 = arith.constant 0 : index
    %get3A_9 = arith.constant 0 : index
    %get3A_10 = vector.load %arg5[%get3A_8, %get3A_9] : memref<1x2048xf32, #tpu.memory_space<vmem>>, vector<1x2048xf32>
    %add3A = vector.broadcast %get3A_10 : vector<1x2048xf32> to vector<128x2048xf32>
    %add3A_11 = arith.addf %dot_general3A_7, %add3A : vector<128x2048xf32>
    %iota3A = tpu.iota {dimensions = array<i32: 0>} : vector<128x1xi32>
    %eq3A_12 = arith.constant 0 : i32
    %eq3A_13 = vector.broadcast %eq3A_12 : i32 to vector<128x1xi32>
    %eq3A_14 = arith.cmpi eq, %iota3A, %eq3A_13 : vector<128x1xi32>
    %jit3A = arith.constant 1.000000e+00 : f32
    %jit3A_15 = arith.constant 0.000000e+00 : f32
    %broadcast_in_dim3A = vector.broadcast %jit3A : f32 to vector<128x1xf32>
    %broadcast_in_dim3A_16 = vector.broadcast %jit3A_15 : f32 to vector<128x1xf32>
    %select_n3A = arith.select %eq3A_14, %broadcast_in_dim3A, %broadcast_in_dim3A_16 : vector<128x1xi1>, vector<128x1xf32>
    %get3A_17 = arith.constant 0 : index
    %get3A_18 = arith.constant 0 : index
    %get3A_19 = arith.constant 0 : index
    %get3A_20 = vector.load %arg2[%get3A_17, %get3A_18, %get3A_19] : memref<1x2x2048xf32, #tpu.memory_space<vmem>>, vector<1x1x2048xf32>
    %get3A_21 = vector.shape_cast %get3A_20 : vector<1x1x2048xf32> to vector<1x2048xf32>
    %mul3A = vector.broadcast %select_n3A : vector<128x1xf32> to vector<128x2048xf32>
    %mul3A_22 = vector.broadcast %get3A_21 : vector<1x2048xf32> to vector<128x2048xf32>
    %mul3A_23 = arith.mulf %mul3A, %mul3A_22 : vector<128x2048xf32>
    %add3A_24 = arith.addf %add3A_11, %mul3A_23 : vector<128x2048xf32>
    %eq3A_25 = arith.constant 64 : i32
    %eq3A_26 = vector.broadcast %eq3A_25 : i32 to vector<128x1xi32>
    %eq3A_27 = arith.cmpi eq, %iota3A, %eq3A_26 : vector<128x1xi32>
    %jit3A_28 = arith.constant 1.000000e+00 : f32
    %jit3A_29 = arith.constant 0.000000e+00 : f32
    %broadcast_in_dim3A_30 = vector.broadcast %jit3A_28 : f32 to vector<128x1xf32>
    %broadcast_in_dim3A_31 = vector.broadcast %jit3A_29 : f32 to vector<128x1xf32>
    %select_n3A_32 = arith.select %eq3A_27, %broadcast_in_dim3A_30, %broadcast_in_dim3A_31 : vector<128x1xi1>, vector<128x1xf32>
    %get3A_33 = arith.constant 0 : index
    %get3A_34 = arith.constant 1 : index
    %get3A_35 = arith.constant 0 : index
    %get3A_36 = vector.load %arg2[%get3A_33, %get3A_34, %get3A_35] : memref<1x2x2048xf32, #tpu.memory_space<vmem>>, vector<1x1x2048xf32>
    %get3A_37 = vector.shape_cast %get3A_36 : vector<1x1x2048xf32> to vector<1x2048xf32>
    %mul3A_38 = vector.broadcast %select_n3A_32 : vector<128x1xf32> to vector<128x2048xf32>
    %mul3A_39 = vector.broadcast %get3A_37 : vector<1x2048xf32> to vector<128x2048xf32>
    %mul3A_40 = arith.mulf %mul3A_38, %mul3A_39 : vector<128x2048xf32>
    %add3A_41 = arith.addf %add3A_24, %mul3A_40 : vector<128x2048xf32>
    %get3A_42 = arith.constant 0 : index
    %get3A_43 = arith.constant 0 : index
    %get3A_44 = vector.load %arg7[%get3A_42, %get3A_43] : memref<128x512xf32, #tpu.memory_space<vmem>>, vector<128x512xf32>
    %get3A_45 = arith.constant 0 : index
    %get3A_46 = arith.constant 0 : index
    %get3A_47 = vector.load %arg4[%get3A_45, %get3A_46] : memref<512x2048xf32, #tpu.memory_space<vmem>>, vector<512x2048xf32>
    %dot_general3A_48 = arith.constant dense<0.000000e+00> : vector<128x2048xf32>
    %dot_general3A_49 = tpu.matmul %get3A_44, %get3A_47, %dot_general3A_48 {dimension_numbers = #tpu.dot_dimension_numbers<[1], [0], [0], [1], [0, 0, 1, 1], [], []>, precision = #tpu.contract_precision<fp32>, transpose_lhs_hint = false} : vector<128x512xf32>, vector<512x2048xf32>, vector<128x2048xf32> -> vector<128x2048xf32>
    %add3A_50 = arith.addf %add3A_41, %dot_general3A_49 : vector<128x2048xf32>
    %slice3A = vector.extract_strided_slice %add3A_50 {offsets = [0, 0], sizes = [128, 512], strides = [1, 1]} : vector<128x2048xf32> to vector<128x512xf32>
    %logistic3A = arith.negf %slice3A : vector<128x512xf32>
    %logistic3A_51 = math.exp %logistic3A : vector<128x512xf32>
    %logistic3A_52 = arith.constant 1.000000e+00 : f32
    %logistic3A_53 = vector.broadcast %logistic3A_52 : f32 to vector<128x512xf32>
    %logistic3A_54 = arith.addf %logistic3A_53, %logistic3A_51 : vector<128x512xf32>
    %logistic3A_55 = arith.divf %logistic3A_53, %logistic3A_54 : vector<128x512xf32>
    %slice3A_56 = vector.extract_strided_slice %add3A_50 {offsets = [0, 512], sizes = [128, 512], strides = [1, 1]} : vector<128x2048xf32> to vector<128x512xf32>
    %logistic3A_57 = arith.negf %slice3A_56 : vector<128x512xf32>
    %logistic3A_58 = math.exp %logistic3A_57 : vector<128x512xf32>
    %logistic3A_59 = arith.constant 1.000000e+00 : f32
    %logistic3A_60 = vector.broadcast %logistic3A_59 : f32 to vector<128x512xf32>
    %logistic3A_61 = arith.addf %logistic3A_60, %logistic3A_58 : vector<128x512xf32>
    %logistic3A_62 = arith.divf %logistic3A_60, %logistic3A_61 : vector<128x512xf32>
    %slice3A_63 = vector.extract_strided_slice %add3A_50 {offsets = [0, 1024], sizes = [128, 512], strides = [1, 1]} : vector<128x2048xf32> to vector<128x512xf32>
    %tanh3A = math.tanh %slice3A_63 : vector<128x512xf32>
    %slice3A_64 = vector.extract_strided_slice %add3A_50 {offsets = [0, 1536], sizes = [128, 512], strides = [1, 1]} : vector<128x2048xf32> to vector<128x512xf32>
    %logistic3A_65 = arith.negf %slice3A_64 : vector<128x512xf32>
    %logistic3A_66 = math.exp %logistic3A_65 : vector<128x512xf32>
    %logistic3A_67 = arith.constant 1.000000e+00 : f32
    %logistic3A_68 = vector.broadcast %logistic3A_67 : f32 to vector<128x512xf32>
    %logistic3A_69 = arith.addf %logistic3A_68, %logistic3A_66 : vector<128x512xf32>
    %logistic3A_70 = arith.divf %logistic3A_68, %logistic3A_69 : vector<128x512xf32>
    %get3A_71 = arith.constant 0 : index
    %get3A_72 = arith.constant 0 : index
    %get3A_73 = vector.load %arg8[%get3A_71, %get3A_72] : memref<128x512xf32, #tpu.memory_space<vmem>>, vector<128x512xf32>
    %mul3A_74 = arith.mulf %logistic3A_62, %get3A_73 : vector<128x512xf32>
    %mul3A_75 = arith.mulf %logistic3A_55, %tanh3A : vector<128x512xf32>
    %add3A_76 = arith.addf %mul3A_74, %mul3A_75 : vector<128x512xf32>
    %tanh3A_77 = math.tanh %add3A_76 : vector<128x512xf32>
    %mul3A_78 = arith.mulf %logistic3A_70, %tanh3A_77 : vector<128x512xf32>
    %swap3A = arith.constant 0 : index
    %swap3A_79 = arith.constant 0 : index
    %swap3A_80 = vector.load %arg8[%swap3A, %swap3A_79] : memref<128x512xf32, #tpu.memory_space<vmem>>, vector<128x512xf32>
    tpu.vector_store %arg8[%swap3A, %swap3A_79], %add3A_76 {strides = array<i32>} : memref<128x512xf32, #tpu.memory_space<vmem>>, vector<128x512xf32>,
    %swap3A_81 = arith.constant 0 : index
    %swap3A_82 = arith.constant 0 : index
    %swap3A_83 = vector.load %arg7[%swap3A_81, %swap3A_82] : memref<128x512xf32, #tpu.memory_space<vmem>>, vector<128x512xf32>
    tpu.vector_store %arg7[%swap3A_81, %swap3A_82], %mul3A_78 {strides = array<i32>} : memref<128x512xf32, #tpu.memory_space<vmem>>, vector<128x512xf32>,
    %eq3A_84 = arith.constant 23 : i32
    %eq3A_85 = arith.cmpi eq, %arg0, %eq3A_84 : i32
    %convert_element_type3A_86 = arith.extui %eq3A_85 : i1 to i32
    %cond3A_87 = arith.constant 0 : i32
    %cond3A_88 = arith.cmpi ne, %convert_element_type3A_86, %cond3A_87 : i32
    scf.if %cond3A_88 {
      %swap3A_89 = arith.constant 0 : index
      %swap3A_90 = arith.constant 0 : index
      %swap3A_91 = vector.load %arg6[%swap3A_89, %swap3A_90] : memref<128x512xf32, #tpu.memory_space<vmem>>, vector<128x512xf32>
      tpu.vector_store %arg6[%swap3A_89, %swap3A_90], %mul3A_78 {strides = array<i32>} : memref<128x512xf32, #tpu.memory_space<vmem>>, vector<128x512xf32>,
    } else {
    }
    return
  }
  func.func @transform_0(%arg0: i32) -> (i32, i32) {
    %c0_i32 = arith.constant 0 : i32
    %c0_i32_0 = arith.constant 0 : i32
    return %arg0, %c0_i32 : i32, i32
  }
  func.func @transform_1(%arg0: i32) -> (i32, i32, i32) {
    %c0_i32 = arith.constant 0 : i32
    %c0_i32_0 = arith.constant 0 : i32
    %c0_i32_1 = arith.constant 0 : i32
    return %arg0, %c0_i32, %c0_i32_0 : i32, i32, i32
  }
  func.func @transform_2(%arg0: i32) -> (i32, i32) {
    %c0_i32 = arith.constant 0 : i32
    %c0_i32_0 = arith.constant 0 : i32
    %c0_i32_1 = arith.constant 0 : i32
    return %c0_i32, %c0_i32_0 : i32, i32
  }
  func.func @transform_3(%arg0: i32) -> (i32, i32) {
    %c0_i32 = arith.constant 0 : i32
    %c0_i32_0 = arith.constant 0 : i32
    %c0_i32_1 = arith.constant 0 : i32
    return %c0_i32, %c0_i32_0 : i32, i32
  }
  func.func @transform_4(%arg0: i32) -> (i32, i32) {
    %c0_i32 = arith.constant 0 : i32
    %c0_i32_0 = arith.constant 0 : i32
    %c0_i32_1 = arith.constant 0 : i32
    return %c0_i32, %c0_i32_0 : i32, i32
  }
  func.func @transform_5(%arg0: i32) -> (i32, i32) {
    %c0_i32 = arith.constant 0 : i32
    %c0_i32_0 = arith.constant 0 : i32
    %c0_i32_1 = arith.constant 0 : i32
    return %c0_i32, %c0_i32_0 : i32, i32
  }
}

module attributes {stable_mosaic.version = 14 : i64} {
  func.func @_final_body(%arg0: memref<128x512xf32, #tpu.memory_space<vmem>>, %arg1: memref<128x512xf32, #tpu.memory_space<vmem>>, %arg2: memref<2x2048xf32, #tpu.memory_space<vmem>>, %arg3: memref<512x2048xf32, #tpu.memory_space<vmem>>, %arg4: memref<1x2048xf32, #tpu.memory_space<vmem>>, %arg5: memref<1024x500xf32, #tpu.memory_space<vmem>>, %arg6: memref<1x500xf32, #tpu.memory_space<vmem>>, %arg7: memref<128x1024xf32, #tpu.memory_space<vmem>>, %arg8: memref<128x500xf32, #tpu.memory_space<vmem>>) attributes {dimension_semantics = [], scalar_prefetch = 0 : i64, scratch_operands = 0 : i64, tpu.core_type = #tpu.core_type<tc>} {
    %get3A = arith.constant 0 : index
    %get3A_0 = arith.constant 0 : index
    %get3A_1 = vector.load %arg1[%get3A, %get3A_0] : memref<128x512xf32, #tpu.memory_space<vmem>>, vector<128x512xf32>
    %get3A_2 = arith.constant 0 : index
    %get3A_3 = arith.constant 0 : index
    %get3A_4 = vector.load %arg3[%get3A_2, %get3A_3] : memref<512x2048xf32, #tpu.memory_space<vmem>>, vector<512x2048xf32>
    %dot_general3A = arith.constant dense<0.000000e+00> : vector<128x2048xf32>
    %dot_general3A_5 = tpu.matmul %get3A_1, %get3A_4, %dot_general3A {dimension_numbers = #tpu.dot_dimension_numbers<[1], [0], [0], [1], [0, 0, 1, 1], [], []>, precision = #tpu.contract_precision<fp32>, transpose_lhs_hint = false} : vector<128x512xf32>, vector<512x2048xf32>, vector<128x2048xf32> -> vector<128x2048xf32>
    %get3A_6 = arith.constant 0 : index
    %get3A_7 = arith.constant 0 : index
    %get3A_8 = vector.load %arg4[%get3A_6, %get3A_7] : memref<1x2048xf32, #tpu.memory_space<vmem>>, vector<1x2048xf32>
    %add3A = vector.broadcast %get3A_8 : vector<1x2048xf32> to vector<128x2048xf32>
    %add3A_9 = arith.addf %dot_general3A_5, %add3A : vector<128x2048xf32>
    %iota3A = tpu.iota {dimensions = array<i32: 0>} : vector<128x1xi32>
    %eq3A = arith.constant 0 : i32
    %eq3A_10 = vector.broadcast %eq3A : i32 to vector<128x1xi32>
    %eq3A_11 = arith.cmpi eq, %iota3A, %eq3A_10 : vector<128x1xi32>
    %jit3A = arith.constant 1.000000e+00 : f32
    %jit3A_12 = arith.constant 0.000000e+00 : f32
    %broadcast_in_dim3A = vector.broadcast %jit3A : f32 to vector<128x1xf32>
    %broadcast_in_dim3A_13 = vector.broadcast %jit3A_12 : f32 to vector<128x1xf32>
    %select_n3A = arith.select %eq3A_11, %broadcast_in_dim3A, %broadcast_in_dim3A_13 : vector<128x1xi1>, vector<128x1xf32>
    %get3A_14 = arith.constant 0 : index
    %get3A_15 = arith.constant 0 : index
    %get3A_16 = vector.load %arg2[%get3A_14, %get3A_15] : memref<2x2048xf32, #tpu.memory_space<vmem>>, vector<1x2048xf32>
    %mul3A = vector.broadcast %select_n3A : vector<128x1xf32> to vector<128x2048xf32>
    %mul3A_17 = vector.broadcast %get3A_16 : vector<1x2048xf32> to vector<128x2048xf32>
    %mul3A_18 = arith.mulf %mul3A, %mul3A_17 : vector<128x2048xf32>
    %add3A_19 = arith.addf %add3A_9, %mul3A_18 : vector<128x2048xf32>
    %eq3A_20 = arith.constant 64 : i32
    %eq3A_21 = vector.broadcast %eq3A_20 : i32 to vector<128x1xi32>
    %eq3A_22 = arith.cmpi eq, %iota3A, %eq3A_21 : vector<128x1xi32>
    %jit3A_23 = arith.constant 1.000000e+00 : f32
    %jit3A_24 = arith.constant 0.000000e+00 : f32
    %broadcast_in_dim3A_25 = vector.broadcast %jit3A_23 : f32 to vector<128x1xf32>
    %broadcast_in_dim3A_26 = vector.broadcast %jit3A_24 : f32 to vector<128x1xf32>
    %select_n3A_27 = arith.select %eq3A_22, %broadcast_in_dim3A_25, %broadcast_in_dim3A_26 : vector<128x1xi1>, vector<128x1xf32>
    %get3A_28 = arith.constant 1 : index
    %get3A_29 = arith.constant 0 : index
    %get3A_30 = vector.load %arg2[%get3A_28, %get3A_29] : memref<2x2048xf32, #tpu.memory_space<vmem>>, vector<1x2048xf32>
    %mul3A_31 = vector.broadcast %select_n3A_27 : vector<128x1xf32> to vector<128x2048xf32>
    %mul3A_32 = vector.broadcast %get3A_30 : vector<1x2048xf32> to vector<128x2048xf32>
    %mul3A_33 = arith.mulf %mul3A_31, %mul3A_32 : vector<128x2048xf32>
    %add3A_34 = arith.addf %add3A_19, %mul3A_33 : vector<128x2048xf32>
    %slice3A = vector.extract_strided_slice %add3A_34 {offsets = [0, 0], sizes = [128, 512], strides = [1, 1]} : vector<128x2048xf32> to vector<128x512xf32>
    %logistic3A = arith.negf %slice3A : vector<128x512xf32>
    %logistic3A_35 = math.exp %logistic3A : vector<128x512xf32>
    %logistic3A_36 = arith.constant 1.000000e+00 : f32
    %logistic3A_37 = vector.broadcast %logistic3A_36 : f32 to vector<128x512xf32>
    %logistic3A_38 = arith.addf %logistic3A_37, %logistic3A_35 : vector<128x512xf32>
    %logistic3A_39 = arith.divf %logistic3A_37, %logistic3A_38 : vector<128x512xf32>
    %slice3A_40 = vector.extract_strided_slice %add3A_34 {offsets = [0, 1024], sizes = [128, 512], strides = [1, 1]} : vector<128x2048xf32> to vector<128x512xf32>
    %tanh3A = math.tanh %slice3A_40 : vector<128x512xf32>
    %slice3A_41 = vector.extract_strided_slice %add3A_34 {offsets = [0, 1536], sizes = [128, 512], strides = [1, 1]} : vector<128x2048xf32> to vector<128x512xf32>
    %logistic3A_42 = arith.negf %slice3A_41 : vector<128x512xf32>
    %logistic3A_43 = math.exp %logistic3A_42 : vector<128x512xf32>
    %logistic3A_44 = arith.constant 1.000000e+00 : f32
    %logistic3A_45 = vector.broadcast %logistic3A_44 : f32 to vector<128x512xf32>
    %logistic3A_46 = arith.addf %logistic3A_45, %logistic3A_43 : vector<128x512xf32>
    %logistic3A_47 = arith.divf %logistic3A_45, %logistic3A_46 : vector<128x512xf32>
    %mul3A_48 = arith.mulf %logistic3A_39, %tanh3A : vector<128x512xf32>
    %tanh3A_49 = math.tanh %mul3A_48 : vector<128x512xf32>
    %mul3A_50 = arith.mulf %logistic3A_47, %tanh3A_49 : vector<128x512xf32>
    %get3A_51 = arith.constant 0 : index
    %get3A_52 = arith.constant 0 : index
    %get3A_53 = vector.load %arg0[%get3A_51, %get3A_52] : memref<128x512xf32, #tpu.memory_space<vmem>>, vector<128x512xf32>
    %swap3A = arith.constant 0 : index
    %swap3A_54 = arith.constant 0 : index
    %swap3A_55 = vector.load %arg7[%swap3A, %swap3A_54] : memref<128x1024xf32, #tpu.memory_space<vmem>>, vector<128x512xf32>
    tpu.vector_store %arg7[%swap3A, %swap3A_54], %get3A_53 {strides = array<i32>} : memref<128x1024xf32, #tpu.memory_space<vmem>>, vector<128x512xf32>,
    %swap3A_56 = arith.constant 0 : index
    %swap3A_57 = arith.constant 512 : index
    %swap3A_58 = vector.load %arg7[%swap3A_56, %swap3A_57] : memref<128x1024xf32, #tpu.memory_space<vmem>>, vector<128x512xf32>
    tpu.vector_store %arg7[%swap3A_56, %swap3A_57], %mul3A_50 {strides = array<i32>} : memref<128x1024xf32, #tpu.memory_space<vmem>>, vector<128x512xf32>,
    %get3A_59 = arith.constant 0 : index
    %get3A_60 = arith.constant 0 : index
    %get3A_61 = vector.load %arg5[%get3A_59, %get3A_60] : memref<1024x500xf32, #tpu.memory_space<vmem>>, vector<1024x500xf32>
    %slice3A_62 = vector.extract_strided_slice %get3A_61 {offsets = [0, 0], sizes = [512, 500], strides = [1, 1]} : vector<1024x500xf32> to vector<512x500xf32>
    %dot_general3A_63 = arith.constant dense<0.000000e+00> : vector<128x500xf32>
    %dot_general3A_64 = tpu.matmul %get3A_53, %slice3A_62, %dot_general3A_63 {dimension_numbers = #tpu.dot_dimension_numbers<[1], [0], [0], [1], [0, 0, 1, 1], [], []>, precision = #tpu.contract_precision<fp32>, transpose_lhs_hint = false} : vector<128x512xf32>, vector<512x500xf32>, vector<128x500xf32> -> vector<128x500xf32>
    %slice3A_65 = vector.extract_strided_slice %get3A_61 {offsets = [512, 0], sizes = [512, 500], strides = [1, 1]} : vector<1024x500xf32> to vector<512x500xf32>
    %dot_general3A_66 = arith.constant dense<0.000000e+00> : vector<128x500xf32>
    %dot_general3A_67 = tpu.matmul %mul3A_50, %slice3A_65, %dot_general3A_66 {dimension_numbers = #tpu.dot_dimension_numbers<[1], [0], [0], [1], [0, 0, 1, 1], [], []>, precision = #tpu.contract_precision<fp32>, transpose_lhs_hint = false} : vector<128x512xf32>, vector<512x500xf32>, vector<128x500xf32> -> vector<128x500xf32>
    %add3A_68 = arith.addf %dot_general3A_64, %dot_general3A_67 : vector<128x500xf32>
    %get3A_69 = arith.constant 0 : index
    %get3A_70 = arith.constant 0 : index
    %get3A_71 = vector.load %arg6[%get3A_69, %get3A_70] : memref<1x500xf32, #tpu.memory_space<vmem>>, vector<1x500xf32>
    %add3A_72 = vector.broadcast %get3A_71 : vector<1x500xf32> to vector<128x500xf32>
    %add3A_73 = arith.addf %add3A_68, %add3A_72 : vector<128x500xf32>
    %swap3A_74 = arith.constant 0 : index
    %swap3A_75 = arith.constant 0 : index
    %swap3A_76 = vector.load %arg8[%swap3A_74, %swap3A_75] : memref<128x500xf32, #tpu.memory_space<vmem>>, vector<128x500xf32>
    tpu.vector_store %arg8[%swap3A_74, %swap3A_75], %add3A_73 {strides = array<i32>} : memref<128x500xf32, #tpu.memory_space<vmem>>, vector<128x500xf32>,
    return
  }
}

</mosaic_0001>

<sc_bundles>
// kernel: sparse-core-data-format-call.1.cloned.1.call-start
scs
called_computation.1_lowered:
.L_overlay_start_0:
0x0: {  	s1 =	sld [smem:$0x3FD9]  }
0x1: {  	s2 =	sld [smem:$0x3FFE];
	_ =	sdelay $0x1  }
0x2: {  	s3 =	srdreg.scid  }
0x3: {  	s0 =	sand.u32 $0x1, s3  }
0x4: {  	s17 =	sshll.u32 s0, $0xA;
	s1 =	sadd.s32 s2, s1  }
0x5: {  	s1 =	sadd.s32 s1, s17  }
0x6: {  	[smem:$0x3FAE] =	sst s1  }
0x7: {  	_ = 	snop  }
0x8: {  	(tm) =	ssettm $0x1  }
0x9: {  	s18 =	sld [smem:$0x3FFB];
	_ =	sdelay $0x3  }
0xa: {  	_ =	strace s18  }
0xb: {  	s1 =	sld [smem:$0x3FFC];
	_ =	sdelay $0x3  }
0xc: {  	_ =	strace s1  }
0xd: {  	s1 =	sld [smem:$0x3FFD];
	_ =	sdelay $0x3  }
0xe: {  	_ =	strace s1  }
0xf: {  	_ =	strace $0x8FFFFFFF  }
0x10: {  	s19 =	sld [smem:$0x3FDB];
	_ =	sdelay $0x1  }
0x11: {  	s20 =	simm.s32 $_scs_section_size  }
0x12: {  	s4 =	simm.s32 $_size__tile_overlayer_lowered;
	s5 =	simm.s32 $_tile_overlayer_lowered  }
0x13: {  	s23 =	simm.s32 $0x1BFF;
	s22 =	sshll.u32 s5, $0x1;
	s1 =	sadd.s32 s20, s19  }
0x14: {  	s6 =	simm.s32 $0x0;
	s21 =	sshll.u32 s4, $0x1;
	s4 =	sadd.s32 s22, s1  }
0x15: {  	[timem:s6], [sflag:s23] =	dma.local [hbm:s4], s21  }
0x16: {  	_ =	swait.ge [sflag:s23], s21  }
0x17: {  	s2 =	ssub.s32 $0x0, s21;
	[sflag:s23] =	ssyncset.done $0x0  }
0x18: {  	[sflag:s23] =	ssyncadd.s32 s2;
	_ =	sdelay $0x1  }
0x19: {  	s24 =	simm.s32 $0x1B8B  }
0x1a: {  	_ =	swait.ge [sflag:s24], $0x1  }
0x1b: {  	[sflag:s24] =	ssyncset.done $0x0  }
0x1c: {  	s26 =	simm.s32 $0x1B8E;
	s25 =	sld [smem:$0x3FFE];
	[sflag:s24] =	ssyncadd.s32 $0xFFFFFFFF  }
0x1d: {  	s27 =	simm.s32 $execute0_lowered;
	[smem:$0x3FD2] =	sst s26  }
0x1e: {  	s4 =	sshll.u32 s27, $0x1;
	_ =	strace $0x80000046;
	[dreg:$0x1] =	wrdreg $0xFFFFFFFF  }
0x1f: {  	s28 =	simm.s32 $_size_execute0_lowered;
	s1 =	sadd.s32 s1, s4;
	[dreg:$0x0] =	wrdreg $0x0  }
0x20: {  	s4 =	sshll.u32 s28, $0x1;
	[dreg:$0x2] =	wrdreg s1  }
0x21: {  	[dreg:$0x3] =	wrdreg s4  }
0x22: {  	[dreg:$0x4] =	wrdreg $0xC0  }
0x23: {  	_ =	task [dreg:s6], $0x5FFFF  }
0x24: {  	[dreg:$0x1] =	wrdreg $0xFFFFFFFF  }
0x25: {  	[dreg:$0x0] =	wrdreg $0x60  }
0x26: {  	[dreg:$0x2] =	wrdreg s25  }
0x27: {  	[dreg:$0x3] =	wrdreg $0xA  }
0x28: {  	_ =	task.clear_ibuf [dreg:s6], $0x4FFFF;
	_ =	strace $0x90000046  }
0x29: {  	s29 =	simm.s32 $0xA;
	_ =	strace $0x80000048  }
0x2a: {  	_ =	swait.ge [sflag:s29], $0x1  }
0x2b: {  	[sflag:s29] =	ssyncadd.s32 $0xFFFFFFFF  }
0x2c: {  	_ =	strace $0x90000048  }
0x2d: {  	_ =	sfence  }
0x2e: {  	s30 =	sld [smem:$0x0];
	_ =	sdelay $0x2  }
0x2f: {  	s31 =	sshll.u32 s3, $0xD;
	s3 =	sshrl.u32 s3, $0x2  }
0x30: {  	s2 =	sand.u32 $0x4000, s31;
	s1 =	sadd.s32 s3, s30  }
0x31: {  	s0 =	sor.u32 s2, s0;
	s1 =	sshll.u32 s1, $0x11  }
0x32: {  	s0 =	sor.u32 s1, s0  }
0x33: {  	s0 =	sadd.s32 $0x8F2B, s0  }
0x34: {  	[sflag:s0] =	ssyncadd.remote.s32 $0x1  }
0x35: {  	_ =	sfence.sel $0xFFFF  }
0x36: {  	[dreg:$0x0] =	wrdreg $0xFFFFFFFF;
	(pc) =	sbr.abs _section_cstart, $3  }
0x37: {  	[dreg:$0x1] =	wrdreg $0xFFFFFFFF  }
0x38: {  	_ =	task.clear_ibuf [dreg:s6], $0x2FFFF;
	_ =	strace $0x9FFFFFFF  }
0x39: {  	(tm) =	ssettm $0x7FFFFFFF  }
tec
execute0_lowered:
.L_overlay_start_1:
0x0: {  	(tag) =	ssettag $0x1  }
0x1: {  	s7 =	rddreg [dreg:$0x0]  }
0x2: {  	s1 =	stileid.u32;
	s3 =	srdreg.scid  }
0x3: {  	s0 =	rddreg [dreg:$0x1];
	_ =	strace $0x80000047;
	s8 =	simm.s32 $0x1  }
0x4: {  	s31 =	simm.s32 $0x2;
	s14 =	simm.s32 $0x0;
	s13 =	simm.s32 $0x0  }
0x5: {  	s12 =	simm.s32 $0x0;
	s2 =	sshll.u32 s1, $0x7;
	s3 =	sshll.u32 s3, $0x7  }
0x6: {  	s3 =	sand.u32 $0x80, s3;
	s4 =	ssub.s32 $0x800, s2;
	s11 =	smov.u32 s2  }
0x7: {  	s5 =	sshrl.u32 s4, $0xB;
	s4 =	sand.u32 $0x780, s4;
	s6 =	ssub.s32 $0x1100, s3  }
0x8: {  	p0 =	sne.s32 s4, $0x0;
	s30 =	sshrl.u32 s6, $0x7;
	s6 =	sshrl.u32 s6, $0x8  }
.Ltmp0:
0x9: {  	s8 =	simm.s32 @!p0 $0x0;
	s9 =	sand.u32 $0x1, s30;
	(pc) =	sbr.rel .LBB1_1-.Ltmp0, $4  }
0xa: {  	s4 =	simm.s32 $0x1;
	s5 =	sadd.s32 s8, s5;
	s6 =	sadd.s32 s6, s9  }
0xb: {  	s10 =	smov.u32 s3;
	[sflag:s4] =	ssyncpa.u1 $0x0;
	s5 =	smul.u32 s5, s6  }
0xc: {  	p0 =	por $0x0, $0x0;
	[sflag:s31] =	ssyncpa.u1 $0x0;
	s9 =	simm.s32 $0x4000  }
0xd: {  	s6 =	sadd.s32 $0x6200, s7;
	s7 =	sadd.s32 $0x116200, s7;
	s8 =	sadd.s32 $0x1, s5  }
.LBB1_4:
0xe: {  	v5 =	vld [tilespmem:s18+$0xFFFFFFD0];
	[tilespmem:s17+$0x2040 ss:$0x81] =	vst.msk $0xffff, v4;
	s20 =	sshll.u32 s14, $0xB;
	s21 =	sshll.u32 s13, $0x3  }
0xf: {  	v58 =	vld [tilespmem:s18+$0xFFFFFFE0];
	[tilespmem:s17+$0x2850 ss:$0x81] =	vst.msk $0xffff, v3;
	s20 =	sand.u32 $0xFFFFC000, s20;
	s22 =	sand.u32 $0xFFFFFC00, s21  }
0x10: {  	s19 =	sshra.s32 s19, $0x2;
	v59 =	vld [tilespmem:s18+$0xFFFFFFF0];
	[tilespmem:s17+$0x3060 ss:$0x81] =	vst.msk $0xffff, v2;
	s20 =	sadd.s32 s22, s20  }
0x11: {  	v60 =	vld [tilespmem:s18+$0x0];
	[tilespmem:s17+$0x0 ss:$0x81] =	vst.msk $0xffff, v0;
	s16 =	sadd.s32 s19, s16;
	s26 =	sshrl.u32 s20, $0xB  }
0x12: {  	v61 =	vld [tilespmem:s18+$0x10];
	[tilespmem:s16+$0x3870 ss:$0x81] =	vst.msk $0xffff, v1;
	s27 =	smulhi.u32 $0x1E1E1F, s26  }
0x13: {  	v62 =	vld [tilespmem:s18+$0x20];
	s28 =	sand.u32 $0x78, s13;
	[tilespmem:s16+$0x810 ss:$0x81] =	vst.msk $0xffff, v5  }
0x14: {  	v63 =	vld [tilespmem:s18+$0xFFFFFFC0];
	s29 =	sshll.u32 s14, $0x7;
	s30 =	sand.u32 $0x400, s21;
	[tilespmem:s16+$0x1020 ss:$0x81] =	vst.msk $0xffff, v58;
	s19 =	sshrl.u32 s27, $0x1  }
0x15: {  	s14 =	sand.u32 $0x380, s29;
	s18 =	sor.u32 s28, s30;
	[tilespmem:s16+$0x1830 ss:$0x81] =	vst.msk $0xffff, v59;
	s19 =	smul.u32 $0x1100, s19  }
0x16: {  	s14 =	sor.u32 s14, s18;
	[tilespmem:s16+$0x2040 ss:$0x81] =	vst.msk $0xffff, v60  }
0x17: {  	s31 =	sand.u32 $0x7, s13;
	s14 =	sshrl.u32 s14, $0x3;
	[tilespmem:s16+$0x2850 ss:$0x81] =	vst.msk $0xffff, v61;
	s17 =	ssub.s32 s26, s19  }
0x18: {  	s13 =	sshll.u32 s31, $0x12;
	[tilespmem:s16+$0x3060 ss:$0x81] =	vst.msk $0xffff, v62;
	s14 =	sadd.s32 s7, s14;
	s17 =	sshll.u32 s17, $0x8  }
0x19: {  	s13 =	sor.u32 $0x400, s13;
	[tilespmem:s16+$0x0 ss:$0x81] =	vst.msk $0xffff, v63;
	s14 =	sadd.s32 s17, s14  }
0x1a: {  	[hbm4b:s14+s13] =	stream.strided.scatter [tilespmem:s15], [sflag:$0x2], $0x4000, s9, s13, $0x20;
	[tilespmem:$0x10100] =	vst v63  }
.LBB1_5:
0x1b: {  	s15 =	sadd.s32 $0x100, s10  }
0x1c: {  	s13 =	sadd.s32 $0x800, s11;
	s17 =	smov.u32 s11;
	p2 =	sgt.s32 s15, $0x10FF  }
0x1d: {  	s17 =	smov.u32 @p2 s13  }
0x1e: {  	s15 =	smov.u32 @p2 s3;
	p2 =	sgt.s32 s17, $0x7FF  }
0x1f: {  	s17 =	smov.u32 @p2 s2;
	p2 =	sne.s32 s12, s8  }
.Ltmp1:
0x20: {  	p1 =	slt.u32 s12, $0x2;
	(pc) =	sbr.rel @!p2 .LBB1_6-.Ltmp1, $4  }
0x21: {  	s16 =	simm.s32 @!p1 $0x2  }
0x22: {  	s14 =	smov.u32 s10;
	p0 =	por !p0, !p0;
	_ =	swait.ge @!p1 [sflag:s16], $0x4000  }
0x23: {  	s13 =	smov.u32 s11;
	[sflag:s16] =	ssyncset.done @!p1 $0x0;
	s10 =	smov.u32 s15  }
0x24: {  	s12 =	sadd.s32 $0x1, s12;
	[sflag:s16] =	ssyncadd.s32 @!p1 $0xFFFFC000;
	s11 =	smov.u32 s17  }
.LBB1_1:
0x25: {  	p1 =	sge.u32 s12, s5  }
0x26: {  	s15 =	sshrl.u32 @!p1 s11, $0x3  }
0x27: {  	s16 =	sshll.u32 @!p1 s10, $0x3;
	s15 =	smul.u32 @!p1 $0x8800, s15  }
0x28: {  	s17 =	sshll.u32 @!p1 s11, $0x7;
	s16 =	sand.u32 @!p1 $0xFFFFFC00, s16  }
0x29: {  	s15 =	sadd.s32 @!p1 s15, s16;
	s16 =	sand.u32 @!p1 $0x380, s17  }
0x2a: {  	s17 =	sand.u32 @!p1 $0x7F, s10;
	s15 =	sor.u32 @!p1 s16, s15  }
0x2b: {  	s16 =	sor.u32 @!p1 s17, s15  }
0x2c: {  	s17 =	smulhi.u32 @!p1 $0xF0F0F0F1, s16;
	_ =	sdelay $0x1  }
0x2d: {  	s15 =	smulhi.u32 @!p1 $0xF0F0F0F1, s15;
	s17 =	sshrl.u32 @!p1 s17, $0xC  }
0x2e: {  	s17 =	smul.u32 @!p1 $0x1100, s17  }
0x2f: {  	s31 =	sadd.s32 $0xFFFFFFFF, s12;
	s18 =	sxor.u32 @!p1 $0xFFFFFFFF, s12;
	s15 =	sshrl.u32 @!p1 s15, $0xC  }
0x30: {  	s18 =	sshll.u32 @!p1 s18, $0xE;
	s15 =	sand.u32 @!p1 $0x7FF, s15;
	s16 =	ssub.s32 @!p1 s16, s17  }
0x31: {  	s15 =	smul.u32 @!p1 $0x220, s15;
	s17 =	sshrl.u32 @!p1 s16, $0x3;
	s16 =	sand.u32 @!p1 $0x7, s16  }
0x32: {  	s18 =	sand.u32 @!p1 $0x4000, s18;
	s17 =	sadd.s32 @!p1 s6, s17;
	s16 =	sshll.u32 @!p1 s16, $0x12  }
0x33: {  	s15 =	sadd.s32 @!p1 s15, s17;
	s16 =	sor.u32 @!p1 $0x400, s16;
	s17 =	simm.s32 @!p1 $0x8800  }
0x34: {  	[tilespmem:s18], [sflag:$0x1] =	stream.strided.gather @!p1 [hbm4b:s15+s16], $0x4000, s17, s16, $0x38;
	[tilespmem:$0x10100] =	vst v63  }
0x35: {  	p1 =	sge.u32 s31, s5  }
.Ltmp2:
0x36: {  	_ = 	snop;
	(pc) =	sbr.rel @p1 .LBB1_5-.Ltmp2, $1  }
0x37: {  	_ =	sdelay $0x3  }
0x38: {  	s15 =	simm.s32 $0x1  }
0x39: {  	_ =	swait.ge [sflag:s4], $0x4000;
	s15 =	simm.s32 @!p0 $0x0  }
0x3a: {  	[sflag:s4] =	ssyncset.done $0x0;
	s16 =	sshll.u32 s15, $0xE  }
0x3b: {  	[sflag:s4] =	ssyncadd.s32 $0xFFFFC000;
	s18 =	sor.u32 $0x40, s16  }
0x3c: {  	s15 =	smul.u32 $0x10200, s15;
	v0 =	vld [tilespmem:s18+$0x30]  }
0x3d: {  	v1 =	vld [tilespmem:s18+$0xFFFFFFD0]  }
0x3e: {  	s15 =	sshrl.u32 s15, $0x2;
	v5 =	vld [tilespmem:s18+$0xFFFFFFE0]  }
0x3f: {  	v6 =	vld [tilespmem:s18+$0xFFFFFFF0];
	s16 =	sor.u32 $0x8000, s15  }
0x40: {  	s31 =	sand.u32 $0x1, s12;
	v4 =	vld [tilespmem:s18+$0x0];
	s17 =	sadd.s32 $0x0, s16  }
0x41: {  	v3 =	vld [tilespmem:s18+$0x10];
	s15 =	smul.u32 $0x10200, s31;
	[tilespmem:s17+$0x3870 ss:$0x81] =	vst.msk $0xffff, v0  }
0x42: {  	v2 =	vld [tilespmem:s18+$0x20];
	[tilespmem:s17+$0x810 ss:$0x81] =	vst.msk $0xffff, v1  }
0x43: {  	s15 =	sshrl.u32 s15, $0x2;
	v0 =	vld [tilespmem:s18+$0xFFFFFFC0];
	[tilespmem:s17+$0x1020 ss:$0x81] =	vst.msk $0xffff, v5;
	s18 =	sadd.s32 $0x80, s18  }
0x44: {  	s19 =	simm.s32 $0x4;
	s20 =	simm.s32 $0x8;
	s15 =	sor.u32 $0x8000, s15;
	[tilespmem:s17+$0x1830 ss:$0x81] =	vst.msk $0xffff, v6;
	v1 =	vld [tilespmem:s18+$0x30]  }
.LBB1_3:
0x45: {  	p1 =	sne.s32 s20, $0x1FC;
	v5 =	vld [tilespmem:s18+$0xFFFFFFD0];
	[tilespmem:s17+$0x2040 ss:$0x81] =	vst.msk $0xffff, v4  }
0x46: {  	v6 =	vld [tilespmem:s18+$0xFFFFFFE0];
	[tilespmem:s17+$0x2850 ss:$0x81] =	vst.msk $0xffff, v3  }
0x47: {  	s21 =	sshra.s32 s19, $0x2;
	s19 =	smov.u32 s20;
	v7 =	vld [tilespmem:s18+$0xFFFFFFF0];
	[tilespmem:s17+$0x3060 ss:$0x81] =	vst.msk $0xffff, v2  }
.Ltmp3:
0x48: {  	v4 =	vld [tilespmem:s18+$0x0];
	[tilespmem:s17+$0x0 ss:$0x81] =	vst.msk $0xffff, v0;
	s17 =	sadd.s32 s21, s16;
	(pc) =	sbr.rel @p1 .LBB1_3-.Ltmp3, $4  }
0x49: {  	v3 =	vld [tilespmem:s18+$0x10];
	[tilespmem:s17+$0x3870 ss:$0x81] =	vst.msk $0xffff, v1  }
0x4a: {  	[tilespmem:s17+$0x810 ss:$0x81] =	vst.msk $0xffff, v5;
	v2 =	vld [tilespmem:s18+$0x20]  }
0x4b: {  	v0 =	vld [tilespmem:s18+$0xFFFFFFC0];
	[tilespmem:s17+$0x1020 ss:$0x81] =	vst.msk $0xffff, v6;
	s18 =	sadd.s32 $0x80, s18  }
0x4c: {  	s20 =	sadd.s32 $0x4, s20;
	v1 =	vld [tilespmem:s18+$0x30];
	[tilespmem:s17+$0x1830 ss:$0x81] =	vst.msk $0xffff, v7  }
.Ltmp4:
0x4d: {  	_ = 	snop;
	(pc) =	sbr.rel .LBB1_4-.Ltmp4, $1  }
0x4e: {  	_ =	sdelay $0x3  }
.LBB1_6:
0x4f: {  	_ =	sfence.sel $0x180000  }
0x50: {  	s2 =	simm.s32 $0x1;
	[bflag:$0x0] =	sbarrier.arrive $0xFFFF  }
0x51: {  	s31 =	simm.s32 $0x2;
	[sflag:s2] =	ssyncpa.u1 $0x1  }
0x52: {  	[sflag:s31] =	ssyncpa.u1 $0x1  }
0x53: {  	p0 =	sne.s32 s1, $0x0;
	_ =	strace $0x90000047  }
0x54: {  	s0 =	sadd.s32 @!p0 $0x100000, s0;
	[bflag:$0x2] =	sbarrier.arrive $0xFFFF  }
0x55: {  	[sflag:s0] =	ssyncadd.tile.s32 @!p0 $0x1;
	_ =	shalt  }
.Lfunc_end1:
_tile_overlayer_lowered:
.L_overlay_start_2:
0x56: {  	(tag) =	ssettag $0x2  }
0x57: {  	s0 =	rddreg [dreg:$0x0];
	s2 =	stileid.u32  }
0x58: {  	s1 =	rddreg [dreg:$0x1];
	p0 =	sne.s32 s2, $0x0  }
0x59: {  	s3 =	rddreg [dreg:$0x2];
	[bflag:$0x3] =	sbarrier.arrive $0xFFFF;
	s2 =	simm.s32 @!p0 $0x1C01  }
0x5a: {  	[timem:s3], [sflag:s2] =	dma.local @!p0 [hbm:s0], s1  }
0x5b: {  	s0 =	simm.s32 @!p0 $0x1  }
0x5c: {  	_ =	swait.ge @!p0 [sflag:s0], s1  }
0x5d: {  	s1 =	ssub.s32 @!p0 $0x0, s1;
	[sflag:s0] =	ssyncset.done @!p0 $0x0  }
0x5e: {  	[sflag:s0] =	ssyncadd.s32 @!p0 s1  }
0x5f: {  	[bflag:$0x3] =	sbarrier.arrive $0xFFFF  }
0x60: {  	_ =	shalt  }

// kernel: sparse-core-data-format-call.cloned.1.call-start
scs
called_computation_lowered:
.L_overlay_start_0:
0x0: {  	s2 =	sld [smem:$0x3FD9]  }
0x1: {  	s3 =	sld [smem:$0x3FFE];
	_ =	sdelay $0x1  }
0x2: {  	s1 =	srdreg.scid  }
0x3: {  	s0 =	sand.u32 $0x1, s1  }
0x4: {  	s18 =	sshll.u32 s0, $0xA;
	s2 =	sadd.s32 s3, s2  }
0x5: {  	s2 =	sadd.s32 s2, s18  }
0x6: {  	[smem:$0x3FAE] =	sst s2  }
0x7: {  	_ = 	snop  }
0x8: {  	(tm) =	ssettm $0x1  }
0x9: {  	s19 =	sld [smem:$0x3FFB];
	_ =	sdelay $0x3  }
0xa: {  	_ =	strace s19  }
0xb: {  	s2 =	sld [smem:$0x3FFC];
	_ =	sdelay $0x3  }
0xc: {  	_ =	strace s2  }
0xd: {  	s2 =	sld [smem:$0x3FFD];
	_ =	sdelay $0x3  }
0xe: {  	_ =	strace s2  }
0xf: {  	_ =	strace $0x8FFFFFFF  }
0x10: {  	s20 =	sld [smem:$0x3FDB];
	_ =	sdelay $0x1  }
0x11: {  	s21 =	simm.s32 $_scs_section_size  }
0x12: {  	s4 =	simm.s32 $_size__tile_overlayer_lowered;
	s5 =	simm.s32 $_tile_overlayer_lowered  }
0x13: {  	s6 =	simm.s32 $0x1BFF;
	s22 =	sshll.u32 s5, $0x1;
	s3 =	sadd.s32 s21, s20  }
0x14: {  	s23 =	simm.s32 $0x0;
	s4 =	sshll.u32 s4, $0x1;
	s5 =	sadd.s32 s22, s3  }
0x15: {  	[timem:s23], [sflag:s6] =	dma.local [hbm:s5], s4  }
0x16: {  	_ =	swait.ge [sflag:s6], s4  }
0x17: {  	s4 =	ssub.s32 $0x0, s4;
	[sflag:s6] =	ssyncset.done $0x0  }
0x18: {  	[sflag:s6] =	ssyncadd.s32 s4;
	_ =	sdelay $0x1  }
0x19: {  	s24 =	simm.s32 $0x1B8B  }
0x1a: {  	_ =	swait.ge [sflag:s24], $0x1  }
0x1b: {  	[sflag:s24] =	ssyncset.done $0x0  }
0x1c: {  	[sflag:s24] =	ssyncadd.s32 $0xFFFFFFFF  }
0x1d: {  	s4 =	sld [smem:$0x0]  }
0x1e: {  	s5 =	sand.u32 $0xFFFFFFFE, s1  }
0x1f: {  	p0 =	sne.s32 s1, s5  }
0x20: {  	s5 =	sshll.u32 @p0 s5, $0xE  }
0x21: {  	s5 =	sadd.s32 @p0 $0x11B8D, s5;
	s6 =	sshll.u32 @p0 s4, $0x11  }
0x22: {  	s5 =	sor.u32 @p0 s6, s5  }
0x23: {  	[sflag:s5] =	ssyncadd.remote.s32 @p0 $0x1;
	_ =	sdelay $0x1  }
0x24: {  	s5 =	simm.s32 @p0 $0x1B8D  }
0x25: {  	_ =	swait.eq @p0 [sflag:s5], $0x1  }
0x26: {  	[sflag:s5] =	ssyncadd.s32 @p0 $0xFFFFFFFF  }
0x27: {  	s6 =	sshll.u32 @!p0 s1, $0xE  }
0x28: {  	s6 =	sor.u32 @!p0 $0x4000, s6;
	s5 =	simm.s32 @!p0 $0x1B8D  }
0x29: {  	s4 =	sshll.u32 @!p0 s4, $0x11;
	s6 =	sadd.s32 @!p0 $0x11B8D, s6;
	_ =	swait.eq @!p0 [sflag:s5], $0x1  }
0x2a: {  	s4 =	sor.u32 @!p0 s4, s6;
	[sflag:s5] =	ssyncadd.s32 @!p0 $0xFFFFFFFF  }
0x2b: {  	s26 =	simm.s32 $0x1B8E;
	s25 =	sld [smem:$0x3FFE];
	[sflag:s4] =	ssyncadd.remote.s32 @!p0 $0x1  }
0x2c: {  	s27 =	simm.s32 $execute0_lowered;
	[smem:$0x3FD2] =	sst s26  }
0x2d: {  	s5 =	sshll.u32 s27, $0x1;
	_ =	strace $0x80000049;
	[dreg:$0x1] =	wrdreg $0xFFFFFFFF  }
0x2e: {  	s28 =	simm.s32 $_size_execute0_lowered;
	s3 =	sadd.s32 s3, s5;
	[dreg:$0x0] =	wrdreg $0x0  }
0x2f: {  	s5 =	sshll.u32 s28, $0x1;
	[dreg:$0x2] =	wrdreg s3  }
0x30: {  	[dreg:$0x3] =	wrdreg s5  }
0x31: {  	[dreg:$0x4] =	wrdreg $0xC0  }
0x32: {  	_ =	task [dreg:s23], $0x5FFFF  }
0x33: {  	[dreg:$0x1] =	wrdreg $0xFFFFFFFF  }
0x34: {  	[dreg:$0x0] =	wrdreg $0x60  }
0x35: {  	[dreg:$0x2] =	wrdreg s25  }
0x36: {  	[dreg:$0x3] =	wrdreg $0x9  }
0x37: {  	_ =	task.clear_ibuf [dreg:s23], $0x4FFFF;
	_ =	strace $0x90000049  }
0x38: {  	s29 =	simm.s32 $0x9;
	_ =	strace $0x8000004B  }
0x39: {  	_ =	swait.ge [sflag:s29], $0x1  }
0x3a: {  	[sflag:s29] =	ssyncadd.s32 $0xFFFFFFFF  }
0x3b: {  	_ =	strace $0x9000004B  }
0x3c: {  	_ =	sfence  }
0x3d: {  	s30 =	sld [smem:$0x0];
	_ =	sdelay $0x2  }
0x3e: {  	s31 =	sshll.u32 s1, $0xD;
	s1 =	sshrl.u32 s1, $0x2  }
0x3f: {  	s4 =	sand.u32 $0x4000, s31;
	s1 =	sadd.s32 s1, s30  }
0x40: {  	s0 =	sor.u32 s4, s0;
	s1 =	sshll.u32 s1, $0x11  }
0x41: {  	s0 =	sor.u32 s1, s0  }
0x42: {  	s0 =	sadd.s32 $0x8F2B, s0  }
0x43: {  	[sflag:s0] =	ssyncadd.remote.s32 $0x1  }
0x44: {  	_ =	sfence.sel $0xFFFF  }
0x45: {  	[dreg:$0x0] =	wrdreg $0xFFFFFFFF;
	(pc) =	sbr.abs _section_cstart, $3  }
0x46: {  	[dreg:$0x1] =	wrdreg $0xFFFFFFFF  }
0x47: {  	_ =	task.clear_ibuf [dreg:s23], $0x2FFFF;
	_ =	strace $0x9FFFFFFF  }
0x48: {  	(tm) =	ssettm $0x7FFFFFFF  }
0x49: {  	_ =	shalt  }
tec
execute0_lowered:
.L_overlay_start_1:
0x0: {  	(tag) =	ssettag $0x1  }
0x1: {  	s7 =	rddreg [dreg:$0x0]  }
0x2: {  	s1 =	stileid.u32;
	s3 =	srdreg.scid  }
0x3: {  	s0 =	rddreg [dreg:$0x1];
	_ =	strace $0x8000004A;
	s8 =	simm.s32 $0x1  }
0x4: {  	s31 =	simm.s32 $0x2;
	s14 =	simm.s32 $0x0;
	s13 =	simm.s32 $0x0  }
0x5: {  	s12 =	simm.s32 $0x0;
	s2 =	sshll.u32 s1, $0x7;
	s3 =	sshll.u32 s3, $0x7  }
0x6: {  	s3 =	sand.u32 $0x80, s3;
	s4 =	ssub.s32 $0x800, s2;
	s11 =	smov.u32 s2  }
0x7: {  	s5 =	sshrl.u32 s4, $0xB;
	s4 =	sand.u32 $0x780, s4;
	s6 =	ssub.s32 $0x1100, s3  }
0x8: {  	p0 =	sne.s32 s4, $0x0;
	s30 =	sshrl.u32 s6, $0x7;
	s6 =	sshrl.u32 s6, $0x8  }
.Ltmp0:
0x9: {  	s8 =	simm.s32 @!p0 $0x0;
	s9 =	sand.u32 $0x1, s30;
	(pc) =	sbr.rel .LBB1_1-.Ltmp0, $4  }
0xa: {  	s4 =	simm.s32 $0x1;
	s5 =	sadd.s32 s8, s5;
	s6 =	sadd.s32 s6, s9  }
0xb: {  	s10 =	smov.u32 s3;
	[sflag:s4] =	ssyncpa.u1 $0x0;
	s5 =	smul.u32 s5, s6  }
0xc: {  	p0 =	por $0x0, $0x0;
	[sflag:s31] =	ssyncpa.u1 $0x0;
	s9 =	simm.s32 $0x4000  }
0xd: {  	s6 =	sadd.s32 $0x226200, s7;
	s7 =	sadd.s32 $0x336200, s7;
	s8 =	sadd.s32 $0x1, s5  }
.LBB1_4:
0xe: {  	v5 =	vld [tilespmem:s18+$0xFFFFFFD0];
	[tilespmem:s17+$0x2040 ss:$0x81] =	vst.msk $0xffff, v4;
	s20 =	sshll.u32 s14, $0xB;
	s21 =	sshll.u32 s13, $0x3  }
0xf: {  	v58 =	vld [tilespmem:s18+$0xFFFFFFE0];
	[tilespmem:s17+$0x2850 ss:$0x81] =	vst.msk $0xffff, v3;
	s20 =	sand.u32 $0xFFFFC000, s20;
	s22 =	sand.u32 $0xFFFFFC00, s21  }
0x10: {  	s19 =	sshra.s32 s19, $0x2;
	v59 =	vld [tilespmem:s18+$0xFFFFFFF0];
	[tilespmem:s17+$0x3060 ss:$0x81] =	vst.msk $0xffff, v2;
	s20 =	sadd.s32 s22, s20  }
0x11: {  	v60 =	vld [tilespmem:s18+$0x0];
	[tilespmem:s17+$0x0 ss:$0x81] =	vst.msk $0xffff, v0;
	s16 =	sadd.s32 s19, s16;
	s26 =	sshrl.u32 s20, $0xB  }
0x12: {  	v61 =	vld [tilespmem:s18+$0x10];
	[tilespmem:s16+$0x3870 ss:$0x81] =	vst.msk $0xffff, v1;
	s27 =	smulhi.u32 $0x1E1E1F, s26  }
0x13: {  	v62 =	vld [tilespmem:s18+$0x20];
	s28 =	sand.u32 $0x78, s13;
	[tilespmem:s16+$0x810 ss:$0x81] =	vst.msk $0xffff, v5  }
0x14: {  	v63 =	vld [tilespmem:s18+$0xFFFFFFC0];
	s29 =	sshll.u32 s14, $0x7;
	s30 =	sand.u32 $0x400, s21;
	[tilespmem:s16+$0x1020 ss:$0x81] =	vst.msk $0xffff, v58;
	s19 =	sshrl.u32 s27, $0x1  }
0x15: {  	s14 =	sand.u32 $0x380, s29;
	s18 =	sor.u32 s28, s30;
	[tilespmem:s16+$0x1830 ss:$0x81] =	vst.msk $0xffff, v59;
	s19 =	smul.u32 $0x1100, s19  }
0x16: {  	s14 =	sor.u32 s14, s18;
	[tilespmem:s16+$0x2040 ss:$0x81] =	vst.msk $0xffff, v60  }
0x17: {  	s31 =	sand.u32 $0x7, s13;
	s14 =	sshrl.u32 s14, $0x3;
	[tilespmem:s16+$0x2850 ss:$0x81] =	vst.msk $0xffff, v61;
	s17 =	ssub.s32 s26, s19  }
0x18: {  	s13 =	sshll.u32 s31, $0x12;
	[tilespmem:s16+$0x3060 ss:$0x81] =	vst.msk $0xffff, v62;
	s14 =	sadd.s32 s7, s14;
	s17 =	sshll.u32 s17, $0x8  }
0x19: {  	s13 =	sor.u32 $0x400, s13;
	[tilespmem:s16+$0x0 ss:$0x81] =	vst.msk $0xffff, v63;
	s14 =	sadd.s32 s17, s14  }
0x1a: {  	[hbm4b:s14+s13] =	stream.strided.scatter [tilespmem:s15], [sflag:$0x2], $0x4000, s9, s13, $0x20;
	[tilespmem:$0x10100] =	vst v63  }
.LBB1_5:
0x1b: {  	s15 =	sadd.s32 $0x100, s10  }
0x1c: {  	s13 =	sadd.s32 $0x800, s11;
	s17 =	smov.u32 s11;
	p2 =	sgt.s32 s15, $0x10FF  }
0x1d: {  	s17 =	smov.u32 @p2 s13  }
0x1e: {  	s15 =	smov.u32 @p2 s3;
	p2 =	sgt.s32 s17, $0x7FF  }
0x1f: {  	s17 =	smov.u32 @p2 s2;
	p2 =	sne.s32 s12, s8  }
.Ltmp1:
0x20: {  	p1 =	slt.u32 s12, $0x2;
	(pc) =	sbr.rel @!p2 .LBB1_6-.Ltmp1, $4  }
0x21: {  	s16 =	simm.s32 @!p1 $0x2  }
0x22: {  	s14 =	smov.u32 s10;
	p0 =	por !p0, !p0;
	_ =	swait.ge @!p1 [sflag:s16], $0x4000  }
0x23: {  	s13 =	smov.u32 s11;
	[sflag:s16] =	ssyncset.done @!p1 $0x0;
	s10 =	smov.u32 s15  }
0x24: {  	s12 =	sadd.s32 $0x1, s12;
	[sflag:s16] =	ssyncadd.s32 @!p1 $0xFFFFC000;
	s11 =	smov.u32 s17  }
.LBB1_1:
0x25: {  	p1 =	sge.u32 s12, s5  }
0x26: {  	s15 =	sshrl.u32 @!p1 s11, $0x3  }
0x27: {  	s16 =	sshll.u32 @!p1 s10, $0x3;
	s15 =	smul.u32 @!p1 $0x8800, s15  }
0x28: {  	s17 =	sshll.u32 @!p1 s11, $0x7;
	s16 =	sand.u32 @!p1 $0xFFFFFC00, s16  }
0x29: {  	s15 =	sadd.s32 @!p1 s15, s16;
	s16 =	sand.u32 @!p1 $0x380, s17  }
0x2a: {  	s17 =	sand.u32 @!p1 $0x7F, s10;
	s15 =	sor.u32 @!p1 s16, s15  }
0x2b: {  	s16 =	sor.u32 @!p1 s17, s15  }
0x2c: {  	s17 =	smulhi.u32 @!p1 $0xF0F0F0F1, s16;
	_ =	sdelay $0x1  }
0x2d: {  	s15 =	smulhi.u32 @!p1 $0xF0F0F0F1, s15;
	s17 =	sshrl.u32 @!p1 s17, $0xC  }
0x2e: {  	s17 =	smul.u32 @!p1 $0x1100, s17  }
0x2f: {  	s31 =	sadd.s32 $0xFFFFFFFF, s12;
	s18 =	sxor.u32 @!p1 $0xFFFFFFFF, s12;
	s15 =	sshrl.u32 @!p1 s15, $0xC  }
0x30: {  	s18 =	sshll.u32 @!p1 s18, $0xE;
	s15 =	sand.u32 @!p1 $0x7FF, s15;
	s16 =	ssub.s32 @!p1 s16, s17  }
0x31: {  	s15 =	smul.u32 @!p1 $0x220, s15;
	s17 =	sshrl.u32 @!p1 s16, $0x3;
	s16 =	sand.u32 @!p1 $0x7, s16  }
0x32: {  	s18 =	sand.u32 @!p1 $0x4000, s18;
	s17 =	sadd.s32 @!p1 s6, s17;
	s16 =	sshll.u32 @!p1 s16, $0x12  }
0x33: {  	s15 =	sadd.s32 @!p1 s15, s17;
	s16 =	sor.u32 @!p1 $0x400, s16;
	s17 =	simm.s32 @!p1 $0x8800  }
0x34: {  	[tilespmem:s18], [sflag:$0x1] =	stream.strided.gather @!p1 [hbm4b:s15+s16], $0x4000, s17, s16, $0x38;
	[tilespmem:$0x10100] =	vst v63  }
0x35: {  	p1 =	sge.u32 s31, s5  }
.Ltmp2:
0x36: {  	_ = 	snop;
	(pc) =	sbr.rel @p1 .LBB1_5-.Ltmp2, $1  }
0x37: {  	_ =	sdelay $0x3  }
0x38: {  	s15 =	simm.s32 $0x1  }
0x39: {  	_ =	swait.ge [sflag:s4], $0x4000;
	s15 =	simm.s32 @!p0 $0x0  }
0x3a: {  	[sflag:s4] =	ssyncset.done $0x0;
	s16 =	sshll.u32 s15, $0xE  }
0x3b: {  	[sflag:s4] =	ssyncadd.s32 $0xFFFFC000;
	s18 =	sor.u32 $0x40, s16  }
0x3c: {  	s15 =	smul.u32 $0x10200, s15;
	v0 =	vld [tilespmem:s18+$0x30]  }
0x3d: {  	v1 =	vld [tilespmem:s18+$0xFFFFFFD0]  }
0x3e: {  	s15 =	sshrl.u32 s15, $0x2;
	v5 =	vld [tilespmem:s18+$0xFFFFFFE0]  }
0x3f: {  	v6 =	vld [tilespmem:s18+$0xFFFFFFF0];
	s16 =	sor.u32 $0x8000, s15  }
0x40: {  	s31 =	sand.u32 $0x1, s12;
	v4 =	vld [tilespmem:s18+$0x0];
	s17 =	sadd.s32 $0x0, s16  }
0x41: {  	v3 =	vld [tilespmem:s18+$0x10];
	s15 =	smul.u32 $0x10200, s31;
	[tilespmem:s17+$0x3870 ss:$0x81] =	vst.msk $0xffff, v0  }
0x42: {  	v2 =	vld [tilespmem:s18+$0x20];
	[tilespmem:s17+$0x810 ss:$0x81] =	vst.msk $0xffff, v1  }
0x43: {  	s15 =	sshrl.u32 s15, $0x2;
	v0 =	vld [tilespmem:s18+$0xFFFFFFC0];
	[tilespmem:s17+$0x1020 ss:$0x81] =	vst.msk $0xffff, v5;
	s18 =	sadd.s32 $0x80, s18  }
0x44: {  	s19 =	simm.s32 $0x4;
	s20 =	simm.s32 $0x8;
	s15 =	sor.u32 $0x8000, s15;
	[tilespmem:s17+$0x1830 ss:$0x81] =	vst.msk $0xffff, v6;
	v1 =	vld [tilespmem:s18+$0x30]  }
.LBB1_3:
0x45: {  	p1 =	sne.s32 s20, $0x1FC;
	v5 =	vld [tilespmem:s18+$0xFFFFFFD0];
	[tilespmem:s17+$0x2040 ss:$0x81] =	vst.msk $0xffff, v4  }
0x46: {  	v6 =	vld [tilespmem:s18+$0xFFFFFFE0];
	[tilespmem:s17+$0x2850 ss:$0x81] =	vst.msk $0xffff, v3  }
0x47: {  	s21 =	sshra.s32 s19, $0x2;
	s19 =	smov.u32 s20;
	v7 =	vld [tilespmem:s18+$0xFFFFFFF0];
	[tilespmem:s17+$0x3060 ss:$0x81] =	vst.msk $0xffff, v2  }
.Ltmp3:
0x48: {  	v4 =	vld [tilespmem:s18+$0x0];
	[tilespmem:s17+$0x0 ss:$0x81] =	vst.msk $0xffff, v0;
	s17 =	sadd.s32 s21, s16;
	(pc) =	sbr.rel @p1 .LBB1_3-.Ltmp3, $4  }
0x49: {  	v3 =	vld [tilespmem:s18+$0x10];
	[tilespmem:s17+$0x3870 ss:$0x81] =	vst.msk $0xffff, v1  }
0x4a: {  	[tilespmem:s17+$0x810 ss:$0x81] =	vst.msk $0xffff, v5;
	v2 =	vld [tilespmem:s18+$0x20]  }
0x4b: {  	v0 =	vld [tilespmem:s18+$0xFFFFFFC0];
	[tilespmem:s17+$0x1020 ss:$0x81] =	vst.msk $0xffff, v6;
	s18 =	sadd.s32 $0x80, s18  }
0x4c: {  	s20 =	sadd.s32 $0x4, s20;
	v1 =	vld [tilespmem:s18+$0x30];
	[tilespmem:s17+$0x1830 ss:$0x81] =	vst.msk $0xffff, v7  }
.Ltmp4:
0x4d: {  	_ = 	snop;
	(pc) =	sbr.rel .LBB1_4-.Ltmp4, $1  }
0x4e: {  	_ =	sdelay $0x3  }
.LBB1_6:
0x4f: {  	_ =	sfence.sel $0x180000  }
0x50: {  	s2 =	simm.s32 $0x1;
	[bflag:$0x0] =	sbarrier.arrive $0xFFFF  }
0x51: {  	s31 =	simm.s32 $0x2;
	[sflag:s2] =	ssyncpa.u1 $0x1  }
0x52: {  	[sflag:s31] =	ssyncpa.u1 $0x1  }
0x53: {  	p0 =	sne.s32 s1, $0x0;
	_ =	strace $0x9000004A  }
0x54: {  	s0 =	sadd.s32 @!p0 $0x100000, s0;
	[bflag:$0x2] =	sbarrier.arrive $0xFFFF  }
0x55: {  	[sflag:s0] =	ssyncadd.tile.s32 @!p0 $0x1;
	_ =	shalt  }
.Lfunc_end1:
_tile_overlayer_lowered:
.L_overlay_start_2:
0x56: {  	(tag) =	ssettag $0x2  }
0x57: {  	s0 =	rddreg [dreg:$0x0];
	s2 =	stileid.u32  }
0x58: {  	s1 =	rddreg [dreg:$0x1];
	p0 =	sne.s32 s2, $0x0  }
0x59: {  	s3 =	rddreg [dreg:$0x2];
	[bflag:$0x3] =	sbarrier.arrive $0xFFFF;
	s2 =	simm.s32 @!p0 $0x1C01  }
0x5a: {  	[timem:s3], [sflag:s2] =	dma.local @!p0 [hbm:s0], s1  }
0x5b: {  	s0 =	simm.s32 @!p0 $0x1  }
0x5c: {  	_ =	swait.ge @!p0 [sflag:s0], s1  }
0x5d: {  	s1 =	ssub.s32 @!p0 $0x0, s1;
	[sflag:s0] =	ssyncset.done @!p0 $0x0  }
0x5e: {  	[sflag:s0] =	ssyncadd.s32 @!p0 s1  }
0x5f: {  	[bflag:$0x3] =	sbarrier.arrive $0xFFFF  }
0x60: {  	_ =	shalt  }

</sc_bundles>
